<compile_context>
chip_gen: v7x
topology: tpu7x:2x2x1
jax: 0.10.2.dev20260603
libtpu: 0.0.44.dev20260713+nightly
codegen_flags: <defaults>
</compile_context>

<pallas_src>
import functools

import jax
import jax.numpy as jnp
import numpy as np
from jax import lax
from jax.experimental import pallas as pl
from jax.experimental.pallas import tpu as pltpu
from jax.experimental.pallas import tpu_sc as plsc

B = 16384
VOCAB = 1000000
EDIM = 16
NB = 7
NF = 2
NSLOT = NF * NB
D = NSLOT * EDIM

NC = 2
NS = 16
NW = NC * NS

CHUNK = 512
GROUP = 2048
EMB_PER_W = B * NSLOT // NW
POS_PER_W = B // NW

TBLK = 16384
NTB = VOCAB // TBLK
TAIL = VOCAB - NTB * TBLK


def _pack8(y):
  y3 = y.reshape(y.shape[0] // 8, 8, EDIM)
  return jnp.concatenate([y3[:, a, :] for a in range(8)], axis=1)


def _transpose_body(tt_ref, out_ref):
  x = tt_ref[...]
  out_ref[...] = _pack8(jnp.transpose(x))




def _sc_gather_body(emb_idx, pos_idx, page_idx,
                    emb_tab, pos_tab, page_tab,
                    emb_out, pos_out, page_out,
                    idx_v, pidx_v, buf0, buf1, g0, g1, s0, s1):
  wid = lax.axis_index("s") * NC + lax.axis_index("c")
  base = wid * EMB_PER_W
  pltpu.sync_copy(emb_idx.at[pl.ds(base, EMB_PER_W)], idx_v)

  bufs = (buf0, buf1)
  gsems = (g0, g1)
  ssems = (s0, s1)
  ngroups = EMB_PER_W // GROUP
  rem = EMB_PER_W - ngroups * GROUP
  store_handles = [None, None]
  for g in range(ngroups + 1):
    width = GROUP if g < ngroups else rem
    p = g % 2
    if store_handles[p] is not None:
      store_handles[p].wait()
    handles = []
    for j in range(width // CHUNK):
      off = g * GROUP + j * CHUNK
      handles.append(pltpu.async_copy(
          emb_tab.at[idx_v.at[pl.ds(off, CHUNK)]],
          bufs[p].at[pl.ds(j * CHUNK, CHUNK)], gsems[p]))
    for h in handles:
      h.wait()
    store_handles[p] = pltpu.async_copy(
        bufs[p].at[pl.ds(0, width)],
        emb_out.at[pl.ds(base + g * GROUP, width)], ssems[p])
  for h in store_handles:
    if h is not None:
      h.wait()

  pbase = wid * POS_PER_W
  for src_idx, tab, out, buf, gsem, ssem in (
      (pos_idx, pos_tab, pos_out, buf0, g0, s0),
      (page_idx, page_tab, page_out, buf1, g1, s1),
  ):
    pltpu.sync_copy(src_idx.at[pl.ds(pbase, POS_PER_W)], pidx_v)
    pltpu.async_copy(
        tab.at[pidx_v], buf.at[pl.ds(0, POS_PER_W)], gsem).wait()
    pltpu.async_copy(
        buf.at[pl.ds(0, POS_PER_W)], out.at[pl.ds(pbase, POS_PER_W)],
        ssem).wait()


@functools.lru_cache(maxsize=None)
def _make_sc_gather():
  return pl.kernel(
      _sc_gather_body,
      out_type=(
          jax.ShapeDtypeStruct((B * NSLOT, EDIM), jnp.float32),
          jax.ShapeDtypeStruct((B, EDIM), jnp.float32),
          jax.ShapeDtypeStruct((B, EDIM), jnp.float32),
      ),
      mesh=plsc.VectorSubcoreMesh(core_axis_name="c", subcore_axis_name="s"),
      compiler_params=pltpu.CompilerParams(use_tc_tiling_on_sc=False),
      scratch_types=[
          pltpu.VMEM((EMB_PER_W,), jnp.int32),
          pltpu.VMEM((POS_PER_W,), jnp.int32),
          pltpu.VMEM((GROUP, EDIM), jnp.float32),
          pltpu.VMEM((GROUP, EDIM), jnp.float32),
          pltpu.SemaphoreType.DMA,
          pltpu.SemaphoreType.DMA,
          pltpu.SemaphoreType.DMA,
          pltpu.SemaphoreType.DMA,
      ],
  )


@functools.lru_cache(maxsize=None)
def _selection_mats():
  i = np.arange(D)
  s = i // EDIM
  e = i % EDIM
  f = s // NB
  qsel = np.zeros((D, D), np.float32)
  qsel[(f * NB + 3) * EDIM + e, i] = 1.0
  seg = np.zeros((D, NSLOT), np.float32)
  seg[i, s] = 1.0
  rsel = seg.T.copy()
  asel = np.zeros((D, NF * EDIM), np.float32)
  asel[i, f * EDIM + e] = 1.0
  return (jnp.asarray(qsel), jnp.asarray(seg),
          jnp.asarray(rsel), jnp.asarray(asel))


def _tc_body(emb_ref, pos_ref, page_ref, qsel_ref, seg_ref, rsel_ref,
             w1aw_ref, w1wx_ref, w1pos_ref, w1page_ref, b1_ref, g1_ref,
             be1_ref, w2_ref, b2_ref, g2_ref, be2_ref, out_ref):
  x = emb_ref[...]
  qq = jax.lax.dot(x, qsel_ref[...], preferred_element_type=jnp.float32)
  prod = x * qq
  scores = jax.lax.dot(prod, seg_ref[...],
                       preferred_element_type=jnp.float32) * (1.0 / 4.0)

  def softmax7(sc):
    m = jnp.max(sc, axis=-1, keepdims=True)
    ex = jnp.exp(sc - m)
    return ex / jnp.sum(ex, axis=-1, keepdims=True)

  aw = jnp.concatenate(
      [softmax7(scores[:, :NB]), softmax7(scores[:, NB:2 * NB])], axis=1)

  w_rep = jax.lax.dot(aw, rsel_ref[...], preferred_element_type=jnp.float32)
  wx = x * w_rep
  h = (jax.lax.dot(aw, w1aw_ref[...], preferred_element_type=jnp.float32)
       + jax.lax.dot(wx, w1wx_ref[...], preferred_element_type=jnp.float32)
       + jax.lax.dot(pos_ref[...], w1pos_ref[...],
                     preferred_element_type=jnp.float32)
       + jax.lax.dot(page_ref[...], w1page_ref[...],
                     preferred_element_type=jnp.float32)
       + b1_ref[...])
  mu = jnp.mean(h, axis=-1, keepdims=True)
  var = jnp.mean((h - mu) ** 2, axis=-1, keepdims=True)
  h = g1_ref[...] * (h - mu) / jnp.sqrt(var + 1e-3) + be1_ref[...]
  h = jnp.maximum(h, 0.0)

  h2 = jnp.sum(h * w2_ref[...], axis=-1, keepdims=True) + b2_ref[...]
  mu2 = jnp.mean(h2, axis=-1, keepdims=True)
  var2 = jnp.mean((h2 - mu2) ** 2, axis=-1, keepdims=True)
  h2 = g2_ref[...] * (h2 - mu2) / jnp.sqrt(var2 + 1e-3) + be2_ref[...]
  out_ref[...] = jnp.maximum(h2, 0.0)


def _pack_table(neighbourhood_table):
  tt = neighbourhood_table.T
  packed = pl.pallas_call(
      _transpose_body,
      grid=(NTB,),
      in_specs=[pl.BlockSpec((EDIM, TBLK), lambda i: (0, i))],
      out_specs=pl.BlockSpec((TBLK // 8, 128), lambda i: (i, 0)),
      out_shape=jax.ShapeDtypeStruct((VOCAB // 8, 128), jnp.float32),
  )(tt)
  tail_packed = neighbourhood_table[NTB * TBLK:].reshape(TAIL // 8, 128)
  packed = lax.dynamic_update_slice(packed, tail_packed, (NTB * TBLK // 8, 0))
  return packed.reshape(VOCAB, EDIM)


def kernel(position, page, near_expo_seq_cate2, near_expo_seq_cate3,
           neighbourhood_table, position_table, page_table,
           W1, b1, g1, be1, W2, b2, g2, be2):
  ids = jnp.concatenate(
      [near_expo_seq_cate2, near_expo_seq_cate3], axis=1
  ).reshape(-1).astype(jnp.int32)
  pos_idx = position.astype(jnp.int32)
  page_idx = page.astype(jnp.int32)

  rowtab = _pack_table(neighbourhood_table)

  emb_rows, pos_rows, page_rows = _make_sc_gather()(
      ids, pos_idx, page_idx, rowtab, position_table, page_table)
  emb_flat = emb_rows.reshape(B, NSLOT * EDIM)

  qsel, seg, rsel, asel = _selection_mats()
  w1aw = W1[:NSLOT]
  w1wx = asel @ W1[NSLOT:NSLOT + NF * EDIM]
  w1pos = W1[NSLOT + NF * EDIM:NSLOT + NF * EDIM + EDIM]
  w1page = W1[NSLOT + NF * EDIM + EDIM:]

  blk = 2048
  grid = B // blk
  full = lambda i: (0, 0)
  row = lambda i: (i, 0)
  out = pl.pallas_call(
      _tc_body,
      grid=(grid,),
      in_specs=[
          pl.BlockSpec((blk, NSLOT * EDIM), row),
          pl.BlockSpec((blk, EDIM), row),
          pl.BlockSpec((blk, EDIM), row),
          pl.BlockSpec(qsel.shape, full),
          pl.BlockSpec(seg.shape, full),
          pl.BlockSpec(rsel.shape, full),
          pl.BlockSpec((NSLOT, 8), full),
          pl.BlockSpec((D, 8), full),
          pl.BlockSpec((EDIM, 8), full),
          pl.BlockSpec((EDIM, 8), full),
          pl.BlockSpec((1, 8), full),
          pl.BlockSpec((1, 8), full),
          pl.BlockSpec((1, 8), full),
          pl.BlockSpec((1, 8), full),
          pl.BlockSpec((1, 1), full),
          pl.BlockSpec((1, 1), full),
          pl.BlockSpec((1, 1), full),
      ],
      out_specs=pl.BlockSpec((blk, 1), row),
      out_shape=jax.ShapeDtypeStruct((B, 1), jnp.float32),
  )(emb_flat, pos_rows, page_rows, qsel, seg, rsel,
    w1aw, w1wx, w1pos, w1page,
    b1.reshape(1, 8), g1.reshape(1, 8), be1.reshape(1, 8),
    W2.reshape(1, 8), b2.reshape(1, 1), g2.reshape(1, 1), be2.reshape(1, 1))
  return out

# --- scband reference (transcript-rebuilt; emitter-appended) ---
"""Pipeline reference for scband-bias-deep-neural-network-layer-90649579750137 (READ-ONLY COPY).

The authoritative reference and input builder live on the scoring server;
editing this copy changes nothing except your own understanding.
"""

import jax, jax.numpy as jnp
import numpy as np

B = 16384
VOCAB = 1000000
EDIM = 16
MAX_POS = 400
MAX_PAGE = 100
NB = 7
NF = 2
D_IN = NF * NB + NF * EDIM + EDIM + EDIM  # 14 + 32 + 16 + 16 = 78


def setup_inputs(seed: int = 0) -> dict:
    key = jax.random.key(seed)
    ks = jax.random.split(key, 12)
    inp = {}
    inp["position"] = jax.random.randint(ks[0], (B,), 0, MAX_POS)
    inp["page"] = jax.random.randint(ks[1], (B,), 0, MAX_PAGE)
    inp["near_expo_seq_cate2"] = jax.random.randint(ks[2], (B, NB), 0, VOCAB)
    inp["near_expo_seq_cate3"] = jax.random.randint(ks[3], (B, NB), 0, VOCAB)
    inp["neighbourhood_table"] = jax.random.normal(ks[4], (VOCAB, EDIM), dtype=jnp.float32) * 0.05
    inp["position_table"] = jax.random.normal(ks[5], (MAX_POS, EDIM), dtype=jnp.float32) * 0.05
    inp["page_table"] = jax.random.normal(ks[6], (MAX_PAGE, EDIM), dtype=jnp.float32) * 0.05
    inp["W1"] = jax.random.normal(ks[7], (D_IN, 8), dtype=jnp.float32) / jnp.sqrt(float(D_IN))
    inp["b1"] = jnp.zeros((8,), dtype=jnp.float32)
    inp["g1"] = jnp.ones((8,), dtype=jnp.float32)
    inp["be1"] = jnp.zeros((8,), dtype=jnp.float32)
    inp["W2"] = jax.random.normal(ks[8], (8, 1), dtype=jnp.float32) / jnp.sqrt(8.0)
    inp["b2"] = jnp.zeros((1,), dtype=jnp.float32)
    inp["g2"] = jnp.ones((1,), dtype=jnp.float32)
    inp["be2"] = jnp.zeros((1,), dtype=jnp.float32)
    return inp


def _layernorm(x, g, b, eps=1e-3):
    mu = jnp.mean(x, axis=-1, keepdims=True)
    var = jnp.mean((x - mu) ** 2, axis=-1, keepdims=True)
    return g * (x - mu) / jnp.sqrt(var + eps) + b


def reference(position, page, near_expo_seq_cate2, near_expo_seq_cate3,
              neighbourhood_table, position_table, page_table,
              W1, b1, g1, be1, W2, b2, g2, be2):
    bsz = position.shape[0]
    x_position = jnp.take(position_table, position, axis=0)
    x_page = jnp.take(page_table, page, axis=0)
    x_neighbour = jnp.stack([near_expo_seq_cate2, near_expo_seq_cate3], axis=1)
    x_neighbour = x_neighbour.reshape(-1, NF * NB)
    x_emb = jnp.take(neighbourhood_table, x_neighbour, axis=0)
    x_emb = x_emb.reshape(-1, NF, NB, EDIM)
    query = x_emb[:, :, 3:4, :]
    attention_scores = jnp.einsum('bhqe,bhke->bhqk', query, x_emb)
    attention_scores_scaled = attention_scores / (float(EDIM) ** 0.5)
    attention_weights = jax.nn.softmax(attention_scores_scaled, axis=-1)
    attention_output = jnp.einsum('bhqk,bhke->bhqe', attention_weights, x_emb)
    aw_flat = attention_weights.reshape(bsz, -1)
    ao_flat = attention_output.reshape(bsz, -1)
    result = jnp.concatenate([aw_flat, ao_flat, x_position, x_page], axis=1)
    h = jax.nn.relu(_layernorm(result @ W1 + b1, g1, be1))
    h = jax.nn.relu(_layernorm(h @ W2 + b2, g2, be2))
    return h

if __name__ == "__main__":
    import jax
    _d = setup_inputs()
    print(jax.jit(kernel)(*tuple(_d.values())))

</pallas_src>

<mosaic_0001>
#map = affine_map<(d0, d1) -> (0)>
#map1 = affine_map<(d0, d1) -> (0, 0)>
module attributes {stable_mosaic.version = 14 : i64} {
  func.func @_sc_gather_body(%arg0: i32, %arg1: i32, %arg2: memref<229376xi32, #tpu.memory_space<hbm>>, %arg3: memref<16384xi32, #tpu.memory_space<hbm>>, %arg4: memref<16384xi32, #tpu.memory_space<hbm>>, %arg5: memref<1000000x16xf32, #tpu.memory_space<hbm>>, %arg6: memref<400x16xf32, #tpu.memory_space<hbm>>, %arg7: memref<100x16xf32, #tpu.memory_space<hbm>>, %arg8: memref<229376x16xf32, #tpu.memory_space<hbm>>, %arg9: memref<16384x16xf32, #tpu.memory_space<hbm>>, %arg10: memref<16384x16xf32, #tpu.memory_space<hbm>>, %arg11: memref<7168xi32, #tpu.memory_space<vmem>>, %arg12: memref<512xi32, #tpu.memory_space<vmem>>, %arg13: memref<2048x16xf32, #tpu.memory_space<vmem>>, %arg14: memref<2048x16xf32, #tpu.memory_space<vmem>>, %arg15: memref<!tpu.dma_semaphore, #tpu.memory_space<semaphore_mem>>, %arg16: memref<!tpu.dma_semaphore, #tpu.memory_space<semaphore_mem>>, %arg17: memref<!tpu.dma_semaphore, #tpu.memory_space<semaphore_mem>>, %arg18: memref<!tpu.dma_semaphore, #tpu.memory_space<semaphore_mem>>) attributes {dimension_semantics = [#tpu.dimension_semantics<core_parallel>, #tpu.dimension_semantics<subcore_parallel>], iteration_bounds = array<i64: 2, 16>, scalar_prefetch = 0 : i64, scratch_operands = 8 : i64, tpu.core_type = #tpu.core_type<sc_vector_subcore>, window_params = [{transform_indices = #map}, {transform_indices = #map}, {transform_indices = #map}, {transform_indices = #map1}, {transform_indices = #map1}, {transform_indices = #map1}, {transform_indices = #map1}, {transform_indices = #map1}, {transform_indices = #map1}]} {
    %mul3A = arith.constant 2 : i32
    %mul3A_0 = arith.muli %arg1, %mul3A : i32
    %add3A = arith.addi %mul3A_0, %arg0 : i32
    %mul3A_1 = arith.constant 7168 : i32
    %mul3A_2 = arith.muli %add3A, %mul3A_1 : i32
    "tpu.region"() ({
      %run_scoped3A = tpu.sem_alloc : memref<!tpu.dma_semaphore, #tpu.memory_space<semaphore_mem>>
      %dma_start3A_379 = tpu.memref_slice %arg2[%mul3A_2] : memref<229376xi32, #tpu.memory_space<hbm>> -> memref<7168xi32, #tpu.memory_space<hbm>>
      %dma_start3A_380 = tpu.memref_slice %arg2[%mul3A_2] : memref<229376xi32, #tpu.memory_space<hbm>> -> memref<7168xi32, #tpu.memory_space<hbm>>
      tpu.enqueue_dma source(%dma_start3A_380 : memref<7168xi32, #tpu.memory_space<hbm>>) target(%arg11 : memref<7168xi32, #tpu.memory_space<vmem>>) target_semaphore(%run_scoped3A : memref<!tpu.dma_semaphore, #tpu.memory_space<semaphore_mem>>)
      %dma_wait3A_381 = tpu.memref_slice %arg2[%mul3A_2] : memref<229376xi32, #tpu.memory_space<hbm>> -> memref<7168xi32, #tpu.memory_space<hbm>>
      %dma_wait3A_382 = tpu.memref_slice %arg2[%mul3A_2] : memref<229376xi32, #tpu.memory_space<hbm>> -> memref<7168xi32, #tpu.memory_space<hbm>>
      tpu.wait_dma2 semaphore(%run_scoped3A : memref<!tpu.dma_semaphore, #tpu.memory_space<semaphore_mem>>) src(%dma_wait3A_382 : memref<7168xi32, #tpu.memory_space<hbm>>) dst(%arg11 : memref<7168xi32, #tpu.memory_space<vmem>>)
      tpu.yield
    }) : () -> ()
    %dma_start3A = arith.constant 0 : i32
    %dma_start3A_3 = arith.constant 0 : i32
    %dma_start3A_4 = tpu.memref_slice %arg13[%dma_start3A, %dma_start3A_3] : memref<2048x16xf32, #tpu.memory_space<vmem>> -> memref<512x16xf32, #tpu.memory_space<vmem>>
    %dma_start3A_5 = arith.constant 0 : i32
    %dma_start3A_6 = tpu.memref_slice %arg11[%dma_start3A_5] : memref<7168xi32, #tpu.memory_space<vmem>> -> memref<512xi32, #tpu.memory_space<vmem>>
    %dma_start3A_7 = arith.constant 0 : i32
    %dma_start3A_8 = arith.constant 0 : i32
    %dma_start3A_9 = tpu.memref_slice %arg5[%dma_start3A_7, %dma_start3A_8] : memref<1000000x16xf32, #tpu.memory_space<hbm>> -> memref<1000000x16xf32, #tpu.memory_space<hbm>>
    tpu.enqueue_indirect_dma source(%dma_start3A_9 : memref<1000000x16xf32, #tpu.memory_space<hbm>>) target(%dma_start3A_4 : memref<512x16xf32, #tpu.memory_space<vmem>>) offsets(%dma_start3A_6 : memref<512xi32, #tpu.memory_space<vmem>>) semaphore(%arg15 : memref<!tpu.dma_semaphore, #tpu.memory_space<semaphore_mem>>)
    %dma_start3A_10 = arith.constant 512 : i32
    %dma_start3A_11 = arith.constant 0 : i32
    %dma_start3A_12 = tpu.memref_slice %arg13[%dma_start3A_10, %dma_start3A_11] : memref<2048x16xf32, #tpu.memory_space<vmem>> -> memref<512x16xf32, #tpu.memory_space<vmem>>
    %dma_start3A_13 = arith.constant 512 : i32
    %dma_start3A_14 = tpu.memref_slice %arg11[%dma_start3A_13] : memref<7168xi32, #tpu.memory_space<vmem>> -> memref<512xi32, #tpu.memory_space<vmem>>
    %dma_start3A_15 = arith.constant 0 : i32
    %dma_start3A_16 = arith.constant 0 : i32
    %dma_start3A_17 = tpu.memref_slice %arg5[%dma_start3A_15, %dma_start3A_16] : memref<1000000x16xf32, #tpu.memory_space<hbm>> -> memref<1000000x16xf32, #tpu.memory_space<hbm>>
    tpu.enqueue_indirect_dma source(%dma_start3A_17 : memref<1000000x16xf32, #tpu.memory_space<hbm>>) target(%dma_start3A_12 : memref<512x16xf32, #tpu.memory_space<vmem>>) offsets(%dma_start3A_14 : memref<512xi32, #tpu.memory_space<vmem>>) semaphore(%arg15 : memref<!tpu.dma_semaphore, #tpu.memory_space<semaphore_mem>>)
    %dma_start3A_18 = arith.constant 1024 : i32
    %dma_start3A_19 = arith.constant 0 : i32
    %dma_start3A_20 = tpu.memref_slice %arg13[%dma_start3A_18, %dma_start3A_19] : memref<2048x16xf32, #tpu.memory_space<vmem>> -> memref<512x16xf32, #tpu.memory_space<vmem>>
    %dma_start3A_21 = arith.constant 1024 : i32
    %dma_start3A_22 = tpu.memref_slice %arg11[%dma_start3A_21] : memref<7168xi32, #tpu.memory_space<vmem>> -> memref<512xi32, #tpu.memory_space<vmem>>
    %dma_start3A_23 = arith.constant 0 : i32
    %dma_start3A_24 = arith.constant 0 : i32
    %dma_start3A_25 = tpu.memref_slice %arg5[%dma_start3A_23, %dma_start3A_24] : memref<1000000x16xf32, #tpu.memory_space<hbm>> -> memref<1000000x16xf32, #tpu.memory_space<hbm>>
    tpu.enqueue_indirect_dma source(%dma_start3A_25 : memref<1000000x16xf32, #tpu.memory_space<hbm>>) target(%dma_start3A_20 : memref<512x16xf32, #tpu.memory_space<vmem>>) offsets(%dma_start3A_22 : memref<512xi32, #tpu.memory_space<vmem>>) semaphore(%arg15 : memref<!tpu.dma_semaphore, #tpu.memory_space<semaphore_mem>>)
    %dma_start3A_26 = arith.constant 1536 : i32
    %dma_start3A_27 = arith.constant 0 : i32
    %dma_start3A_28 = tpu.memref_slice %arg13[%dma_start3A_26, %dma_start3A_27] : memref<2048x16xf32, #tpu.memory_space<vmem>> -> memref<512x16xf32, #tpu.memory_space<vmem>>
    %dma_start3A_29 = arith.constant 1536 : i32
    %dma_start3A_30 = tpu.memref_slice %arg11[%dma_start3A_29] : memref<7168xi32, #tpu.memory_space<vmem>> -> memref<512xi32, #tpu.memory_space<vmem>>
    %dma_start3A_31 = arith.constant 0 : i32
    %dma_start3A_32 = arith.constant 0 : i32
    %dma_start3A_33 = tpu.memref_slice %arg5[%dma_start3A_31, %dma_start3A_32] : memref<1000000x16xf32, #tpu.memory_space<hbm>> -> memref<1000000x16xf32, #tpu.memory_space<hbm>>
    tpu.enqueue_indirect_dma source(%dma_start3A_33 : memref<1000000x16xf32, #tpu.memory_space<hbm>>) target(%dma_start3A_28 : memref<512x16xf32, #tpu.memory_space<vmem>>) offsets(%dma_start3A_30 : memref<512xi32, #tpu.memory_space<vmem>>) semaphore(%arg15 : memref<!tpu.dma_semaphore, #tpu.memory_space<semaphore_mem>>)
    %dma_wait3A = arith.constant 0 : i32
    %dma_wait3A_34 = arith.constant 0 : i32
    %dma_wait3A_35 = tpu.memref_slice %arg13[%dma_wait3A, %dma_wait3A_34] : memref<2048x16xf32, #tpu.memory_space<vmem>> -> memref<512x16xf32, #tpu.memory_space<vmem>>
    %dma_wait3A_36 = arith.constant 0 : i32
    %dma_wait3A_37 = tpu.memref_slice %arg11[%dma_wait3A_36] : memref<7168xi32, #tpu.memory_space<vmem>> -> memref<512xi32, #tpu.memory_space<vmem>>
    %dma_wait3A_38 = arith.constant 0 : i32
    %dma_wait3A_39 = arith.constant 0 : i32
    %dma_wait3A_40 = tpu.memref_slice %arg5[%dma_wait3A_38, %dma_wait3A_39] : memref<1000000x16xf32, #tpu.memory_space<hbm>> -> memref<1000000x16xf32, #tpu.memory_space<hbm>>
    tpu.wait_indirect_dma semaphore(%arg15 : memref<!tpu.dma_semaphore, #tpu.memory_space<semaphore_mem>>) src(%dma_wait3A_40 : memref<1000000x16xf32, #tpu.memory_space<hbm>>) dst(%dma_wait3A_35 : memref<512x16xf32, #tpu.memory_space<vmem>>)
    %dma_wait3A_41 = arith.constant 512 : i32
    %dma_wait3A_42 = arith.constant 0 : i32
    %dma_wait3A_43 = tpu.memref_slice %arg13[%dma_wait3A_41, %dma_wait3A_42] : memref<2048x16xf32, #tpu.memory_space<vmem>> -> memref<512x16xf32, #tpu.memory_space<vmem>>
    %dma_wait3A_44 = arith.constant 512 : i32
    %dma_wait3A_45 = tpu.memref_slice %arg11[%dma_wait3A_44] : memref<7168xi32, #tpu.memory_space<vmem>> -> memref<512xi32, #tpu.memory_space<vmem>>
    %dma_wait3A_46 = arith.constant 0 : i32
    %dma_wait3A_47 = arith.constant 0 : i32
    %dma_wait3A_48 = tpu.memref_slice %arg5[%dma_wait3A_46, %dma_wait3A_47] : memref<1000000x16xf32, #tpu.memory_space<hbm>> -> memref<1000000x16xf32, #tpu.memory_space<hbm>>
    tpu.wait_indirect_dma semaphore(%arg15 : memref<!tpu.dma_semaphore, #tpu.memory_space<semaphore_mem>>) src(%dma_wait3A_48 : memref<1000000x16xf32, #tpu.memory_space<hbm>>) dst(%dma_wait3A_43 : memref<512x16xf32, #tpu.memory_space<vmem>>)
    %dma_wait3A_49 = arith.constant 1024 : i32
    %dma_wait3A_50 = arith.constant 0 : i32
    %dma_wait3A_51 = tpu.memref_slice %arg13[%dma_wait3A_49, %dma_wait3A_50] : memref<2048x16xf32, #tpu.memory_space<vmem>> -> memref<512x16xf32, #tpu.memory_space<vmem>>
    %dma_wait3A_52 = arith.constant 1024 : i32
    %dma_wait3A_53 = tpu.memref_slice %arg11[%dma_wait3A_52] : memref<7168xi32, #tpu.memory_space<vmem>> -> memref<512xi32, #tpu.memory_space<vmem>>
    %dma_wait3A_54 = arith.constant 0 : i32
    %dma_wait3A_55 = arith.constant 0 : i32
    %dma_wait3A_56 = tpu.memref_slice %arg5[%dma_wait3A_54, %dma_wait3A_55] : memref<1000000x16xf32, #tpu.memory_space<hbm>> -> memref<1000000x16xf32, #tpu.memory_space<hbm>>
    tpu.wait_indirect_dma semaphore(%arg15 : memref<!tpu.dma_semaphore, #tpu.memory_space<semaphore_mem>>) src(%dma_wait3A_56 : memref<1000000x16xf32, #tpu.memory_space<hbm>>) dst(%dma_wait3A_51 : memref<512x16xf32, #tpu.memory_space<vmem>>)
    %dma_wait3A_57 = arith.constant 1536 : i32
    %dma_wait3A_58 = arith.constant 0 : i32
    %dma_wait3A_59 = tpu.memref_slice %arg13[%dma_wait3A_57, %dma_wait3A_58] : memref<2048x16xf32, #tpu.memory_space<vmem>> -> memref<512x16xf32, #tpu.memory_space<vmem>>
    %dma_wait3A_60 = arith.constant 1536 : i32
    %dma_wait3A_61 = tpu.memref_slice %arg11[%dma_wait3A_60] : memref<7168xi32, #tpu.memory_space<vmem>> -> memref<512xi32, #tpu.memory_space<vmem>>
    %dma_wait3A_62 = arith.constant 0 : i32
    %dma_wait3A_63 = arith.constant 0 : i32
    %dma_wait3A_64 = tpu.memref_slice %arg5[%dma_wait3A_62, %dma_wait3A_63] : memref<1000000x16xf32, #tpu.memory_space<hbm>> -> memref<1000000x16xf32, #tpu.memory_space<hbm>>
    tpu.wait_indirect_dma semaphore(%arg15 : memref<!tpu.dma_semaphore, #tpu.memory_space<semaphore_mem>>) src(%dma_wait3A_64 : memref<1000000x16xf32, #tpu.memory_space<hbm>>) dst(%dma_wait3A_59 : memref<512x16xf32, #tpu.memory_space<vmem>>)
    %add3A_65 = arith.constant 0 : i32
    %add3A_66 = arith.addi %mul3A_2, %add3A_65 : i32
    %dma_start3A_67 = arith.constant 0 : i32
    %dma_start3A_68 = arith.constant 0 : i32
    %dma_start3A_69 = tpu.memref_slice %arg13[%dma_start3A_67, %dma_start3A_68] : memref<2048x16xf32, #tpu.memory_space<vmem>> -> memref<2048x16xf32, #tpu.memory_space<vmem>>
    %dma_start3A_70 = arith.constant 0 : i32
    %dma_start3A_71 = tpu.memref_slice %arg8[%add3A_66, %dma_start3A_70] : memref<229376x16xf32, #tpu.memory_space<hbm>> -> memref<2048x16xf32, #tpu.memory_space<hbm>>
    %dma_start3A_72 = arith.constant 0 : i32
    %dma_start3A_73 = tpu.memref_slice %arg8[%add3A_66, %dma_start3A_72] : memref<229376x16xf32, #tpu.memory_space<hbm>> -> memref<2048x16xf32, #tpu.memory_space<hbm>>
    %dma_start3A_74 = arith.constant 0 : i32
    %dma_start3A_75 = arith.constant 0 : i32
    %dma_start3A_76 = tpu.memref_slice %arg13[%dma_start3A_74, %dma_start3A_75] : memref<2048x16xf32, #tpu.memory_space<vmem>> -> memref<2048x16xf32, #tpu.memory_space<vmem>>
    tpu.enqueue_dma source(%dma_start3A_76 : memref<2048x16xf32, #tpu.memory_space<vmem>>) target(%dma_start3A_73 : memref<2048x16xf32, #tpu.memory_space<hbm>>) target_semaphore(%arg17 : memref<!tpu.dma_semaphore, #tpu.memory_space<semaphore_mem>>)
    %dma_start3A_77 = arith.constant 0 : i32
    %dma_start3A_78 = arith.constant 0 : i32
    %dma_start3A_79 = tpu.memref_slice %arg14[%dma_start3A_77, %dma_start3A_78] : memref<2048x16xf32, #tpu.memory_space<vmem>> -> memref<512x16xf32, #tpu.memory_space<vmem>>
    %dma_start3A_80 = arith.constant 2048 : i32
    %dma_start3A_81 = tpu.memref_slice %arg11[%dma_start3A_80] : memref<7168xi32, #tpu.memory_space<vmem>> -> memref<512xi32, #tpu.memory_space<vmem>>
    %dma_start3A_82 = arith.constant 0 : i32
    %dma_start3A_83 = arith.constant 0 : i32
    %dma_start3A_84 = tpu.memref_slice %arg5[%dma_start3A_82, %dma_start3A_83] : memref<1000000x16xf32, #tpu.memory_space<hbm>> -> memref<1000000x16xf32, #tpu.memory_space<hbm>>
    tpu.enqueue_indirect_dma source(%dma_start3A_84 : memref<1000000x16xf32, #tpu.memory_space<hbm>>) target(%dma_start3A_79 : memref<512x16xf32, #tpu.memory_space<vmem>>) offsets(%dma_start3A_81 : memref<512xi32, #tpu.memory_space<vmem>>) semaphore(%arg16 : memref<!tpu.dma_semaphore, #tpu.memory_space<semaphore_mem>>)
    %dma_start3A_85 = arith.constant 512 : i32
    %dma_start3A_86 = arith.constant 0 : i32
    %dma_start3A_87 = tpu.memref_slice %arg14[%dma_start3A_85, %dma_start3A_86] : memref<2048x16xf32, #tpu.memory_space<vmem>> -> memref<512x16xf32, #tpu.memory_space<vmem>>
    %dma_start3A_88 = arith.constant 2560 : i32
    %dma_start3A_89 = tpu.memref_slice %arg11[%dma_start3A_88] : memref<7168xi32, #tpu.memory_space<vmem>> -> memref<512xi32, #tpu.memory_space<vmem>>
    %dma_start3A_90 = arith.constant 0 : i32
    %dma_start3A_91 = arith.constant 0 : i32
    %dma_start3A_92 = tpu.memref_slice %arg5[%dma_start3A_90, %dma_start3A_91] : memref<1000000x16xf32, #tpu.memory_space<hbm>> -> memref<1000000x16xf32, #tpu.memory_space<hbm>>
    tpu.enqueue_indirect_dma source(%dma_start3A_92 : memref<1000000x16xf32, #tpu.memory_space<hbm>>) target(%dma_start3A_87 : memref<512x16xf32, #tpu.memory_space<vmem>>) offsets(%dma_start3A_89 : memref<512xi32, #tpu.memory_space<vmem>>) semaphore(%arg16 : memref<!tpu.dma_semaphore, #tpu.memory_space<semaphore_mem>>)
    %dma_start3A_93 = arith.constant 1024 : i32
    %dma_start3A_94 = arith.constant 0 : i32
    %dma_start3A_95 = tpu.memref_slice %arg14[%dma_start3A_93, %dma_start3A_94] : memref<2048x16xf32, #tpu.memory_space<vmem>> -> memref<512x16xf32, #tpu.memory_space<vmem>>
    %dma_start3A_96 = arith.constant 3072 : i32
    %dma_start3A_97 = tpu.memref_slice %arg11[%dma_start3A_96] : memref<7168xi32, #tpu.memory_space<vmem>> -> memref<512xi32, #tpu.memory_space<vmem>>
    %dma_start3A_98 = arith.constant 0 : i32
    %dma_start3A_99 = arith.constant 0 : i32
    %dma_start3A_100 = tpu.memref_slice %arg5[%dma_start3A_98, %dma_start3A_99] : memref<1000000x16xf32, #tpu.memory_space<hbm>> -> memref<1000000x16xf32, #tpu.memory_space<hbm>>
    tpu.enqueue_indirect_dma source(%dma_start3A_100 : memref<1000000x16xf32, #tpu.memory_space<hbm>>) target(%dma_start3A_95 : memref<512x16xf32, #tpu.memory_space<vmem>>) offsets(%dma_start3A_97 : memref<512xi32, #tpu.memory_space<vmem>>) semaphore(%arg16 : memref<!tpu.dma_semaphore, #tpu.memory_space<semaphore_mem>>)
    %dma_start3A_101 = arith.constant 1536 : i32
    %dma_start3A_102 = arith.constant 0 : i32
    %dma_start3A_103 = tpu.memref_slice %arg14[%dma_start3A_101, %dma_start3A_102] : memref<2048x16xf32, #tpu.memory_space<vmem>> -> memref<512x16xf32, #tpu.memory_space<vmem>>
    %dma_start3A_104 = arith.constant 3584 : i32
    %dma_start3A_105 = tpu.memref_slice %arg11[%dma_start3A_104] : memref<7168xi32, #tpu.memory_space<vmem>> -> memref<512xi32, #tpu.memory_space<vmem>>
    %dma_start3A_106 = arith.constant 0 : i32
    %dma_start3A_107 = arith.constant 0 : i32
    %dma_start3A_108 = tpu.memref_slice %arg5[%dma_start3A_106, %dma_start3A_107] : memref<1000000x16xf32, #tpu.memory_space<hbm>> -> memref<1000000x16xf32, #tpu.memory_space<hbm>>
    tpu.enqueue_indirect_dma source(%dma_start3A_108 : memref<1000000x16xf32, #tpu.memory_space<hbm>>) target(%dma_start3A_103 : memref<512x16xf32, #tpu.memory_space<vmem>>) offsets(%dma_start3A_105 : memref<512xi32, #tpu.memory_space<vmem>>) semaphore(%arg16 : memref<!tpu.dma_semaphore, #tpu.memory_space<semaphore_mem>>)
    %dma_wait3A_109 = arith.constant 0 : i32
    %dma_wait3A_110 = arith.constant 0 : i32
    %dma_wait3A_111 = tpu.memref_slice %arg14[%dma_wait3A_109, %dma_wait3A_110] : memref<2048x16xf32, #tpu.memory_space<vmem>> -> memref<512x16xf32, #tpu.memory_space<vmem>>
    %dma_wait3A_112 = arith.constant 2048 : i32
    %dma_wait3A_113 = tpu.memref_slice %arg11[%dma_wait3A_112] : memref<7168xi32, #tpu.memory_space<vmem>> -> memref<512xi32, #tpu.memory_space<vmem>>
    %dma_wait3A_114 = arith.constant 0 : i32
    %dma_wait3A_115 = arith.constant 0 : i32
    %dma_wait3A_116 = tpu.memref_slice %arg5[%dma_wait3A_114, %dma_wait3A_115] : memref<1000000x16xf32, #tpu.memory_space<hbm>> -> memref<1000000x16xf32, #tpu.memory_space<hbm>>
    tpu.wait_indirect_dma semaphore(%arg16 : memref<!tpu.dma_semaphore, #tpu.memory_space<semaphore_mem>>) src(%dma_wait3A_116 : memref<1000000x16xf32, #tpu.memory_space<hbm>>) dst(%dma_wait3A_111 : memref<512x16xf32, #tpu.memory_space<vmem>>)
    %dma_wait3A_117 = arith.constant 512 : i32
    %dma_wait3A_118 = arith.constant 0 : i32
    %dma_wait3A_119 = tpu.memref_slice %arg14[%dma_wait3A_117, %dma_wait3A_118] : memref<2048x16xf32, #tpu.memory_space<vmem>> -> memref<512x16xf32, #tpu.memory_space<vmem>>
    %dma_wait3A_120 = arith.constant 2560 : i32
    %dma_wait3A_121 = tpu.memref_slice %arg11[%dma_wait3A_120] : memref<7168xi32, #tpu.memory_space<vmem>> -> memref<512xi32, #tpu.memory_space<vmem>>
    %dma_wait3A_122 = arith.constant 0 : i32
    %dma_wait3A_123 = arith.constant 0 : i32
    %dma_wait3A_124 = tpu.memref_slice %arg5[%dma_wait3A_122, %dma_wait3A_123] : memref<1000000x16xf32, #tpu.memory_space<hbm>> -> memref<1000000x16xf32, #tpu.memory_space<hbm>>
    tpu.wait_indirect_dma semaphore(%arg16 : memref<!tpu.dma_semaphore, #tpu.memory_space<semaphore_mem>>) src(%dma_wait3A_124 : memref<1000000x16xf32, #tpu.memory_space<hbm>>) dst(%dma_wait3A_119 : memref<512x16xf32, #tpu.memory_space<vmem>>)
    %dma_wait3A_125 = arith.constant 1024 : i32
    %dma_wait3A_126 = arith.constant 0 : i32
    %dma_wait3A_127 = tpu.memref_slice %arg14[%dma_wait3A_125, %dma_wait3A_126] : memref<2048x16xf32, #tpu.memory_space<vmem>> -> memref<512x16xf32, #tpu.memory_space<vmem>>
    %dma_wait3A_128 = arith.constant 3072 : i32
    %dma_wait3A_129 = tpu.memref_slice %arg11[%dma_wait3A_128] : memref<7168xi32, #tpu.memory_space<vmem>> -> memref<512xi32, #tpu.memory_space<vmem>>
    %dma_wait3A_130 = arith.constant 0 : i32
    %dma_wait3A_131 = arith.constant 0 : i32
    %dma_wait3A_132 = tpu.memref_slice %arg5[%dma_wait3A_130, %dma_wait3A_131] : memref<1000000x16xf32, #tpu.memory_space<hbm>> -> memref<1000000x16xf32, #tpu.memory_space<hbm>>
    tpu.wait_indirect_dma semaphore(%arg16 : memref<!tpu.dma_semaphore, #tpu.memory_space<semaphore_mem>>) src(%dma_wait3A_132 : memref<1000000x16xf32, #tpu.memory_space<hbm>>) dst(%dma_wait3A_127 : memref<512x16xf32, #tpu.memory_space<vmem>>)
    %dma_wait3A_133 = arith.constant 1536 : i32
    %dma_wait3A_134 = arith.constant 0 : i32
    %dma_wait3A_135 = tpu.memref_slice %arg14[%dma_wait3A_133, %dma_wait3A_134] : memref<2048x16xf32, #tpu.memory_space<vmem>> -> memref<512x16xf32, #tpu.memory_space<vmem>>
    %dma_wait3A_136 = arith.constant 3584 : i32
    %dma_wait3A_137 = tpu.memref_slice %arg11[%dma_wait3A_136] : memref<7168xi32, #tpu.memory_space<vmem>> -> memref<512xi32, #tpu.memory_space<vmem>>
    %dma_wait3A_138 = arith.constant 0 : i32
    %dma_wait3A_139 = arith.constant 0 : i32
    %dma_wait3A_140 = tpu.memref_slice %arg5[%dma_wait3A_138, %dma_wait3A_139] : memref<1000000x16xf32, #tpu.memory_space<hbm>> -> memref<1000000x16xf32, #tpu.memory_space<hbm>>
    tpu.wait_indirect_dma semaphore(%arg16 : memref<!tpu.dma_semaphore, #tpu.memory_space<semaphore_mem>>) src(%dma_wait3A_140 : memref<1000000x16xf32, #tpu.memory_space<hbm>>) dst(%dma_wait3A_135 : memref<512x16xf32, #tpu.memory_space<vmem>>)
    %add3A_141 = arith.constant 2048 : i32
    %add3A_142 = arith.addi %mul3A_2, %add3A_141 : i32
    %dma_start3A_143 = arith.constant 0 : i32
    %dma_start3A_144 = arith.constant 0 : i32
    %dma_start3A_145 = tpu.memref_slice %arg14[%dma_start3A_143, %dma_start3A_144] : memref<2048x16xf32, #tpu.memory_space<vmem>> -> memref<2048x16xf32, #tpu.memory_space<vmem>>
    %dma_start3A_146 = arith.constant 0 : i32
    %dma_start3A_147 = tpu.memref_slice %arg8[%add3A_142, %dma_start3A_146] : memref<229376x16xf32, #tpu.memory_space<hbm>> -> memref<2048x16xf32, #tpu.memory_space<hbm>>
    %dma_start3A_148 = arith.constant 0 : i32
    %dma_start3A_149 = tpu.memref_slice %arg8[%add3A_142, %dma_start3A_148] : memref<229376x16xf32, #tpu.memory_space<hbm>> -> memref<2048x16xf32, #tpu.memory_space<hbm>>
    %dma_start3A_150 = arith.constant 0 : i32
    %dma_start3A_151 = arith.constant 0 : i32
    %dma_start3A_152 = tpu.memref_slice %arg14[%dma_start3A_150, %dma_start3A_151] : memref<2048x16xf32, #tpu.memory_space<vmem>> -> memref<2048x16xf32, #tpu.memory_space<vmem>>
    tpu.enqueue_dma source(%dma_start3A_152 : memref<2048x16xf32, #tpu.memory_space<vmem>>) target(%dma_start3A_149 : memref<2048x16xf32, #tpu.memory_space<hbm>>) target_semaphore(%arg18 : memref<!tpu.dma_semaphore, #tpu.memory_space<semaphore_mem>>)
    %dma_wait3A_153 = arith.constant 0 : i32
    %dma_wait3A_154 = arith.constant 0 : i32
    %dma_wait3A_155 = tpu.memref_slice %arg13[%dma_wait3A_153, %dma_wait3A_154] : memref<2048x16xf32, #tpu.memory_space<vmem>> -> memref<2048x16xf32, #tpu.memory_space<vmem>>
    %dma_wait3A_156 = arith.constant 0 : i32
    %dma_wait3A_157 = tpu.memref_slice %arg8[%add3A_66, %dma_wait3A_156] : memref<229376x16xf32, #tpu.memory_space<hbm>> -> memref<2048x16xf32, #tpu.memory_space<hbm>>
    %dma_wait3A_158 = arith.constant 0 : i32
    %dma_wait3A_159 = tpu.memref_slice %arg8[%add3A_66, %dma_wait3A_158] : memref<229376x16xf32, #tpu.memory_space<hbm>> -> memref<2048x16xf32, #tpu.memory_space<hbm>>
    %dma_wait3A_160 = arith.constant 0 : i32
    %dma_wait3A_161 = arith.constant 0 : i32
    %dma_wait3A_162 = tpu.memref_slice %arg13[%dma_wait3A_160, %dma_wait3A_161] : memref<2048x16xf32, #tpu.memory_space<vmem>> -> memref<2048x16xf32, #tpu.memory_space<vmem>>
    tpu.wait_dma2 semaphore(%arg17 : memref<!tpu.dma_semaphore, #tpu.memory_space<semaphore_mem>>) src(%dma_wait3A_162 : memref<2048x16xf32, #tpu.memory_space<vmem>>) dst(%dma_wait3A_159 : memref<2048x16xf32, #tpu.memory_space<hbm>>)
    %dma_start3A_163 = arith.constant 0 : i32
    %dma_start3A_164 = arith.constant 0 : i32
    %dma_start3A_165 = tpu.memref_slice %arg13[%dma_start3A_163, %dma_start3A_164] : memref<2048x16xf32, #tpu.memory_space<vmem>> -> memref<512x16xf32, #tpu.memory_space<vmem>>
    %dma_start3A_166 = arith.constant 4096 : i32
    %dma_start3A_167 = tpu.memref_slice %arg11[%dma_start3A_166] : memref<7168xi32, #tpu.memory_space<vmem>> -> memref<512xi32, #tpu.memory_space<vmem>>
    %dma_start3A_168 = arith.constant 0 : i32
    %dma_start3A_169 = arith.constant 0 : i32
    %dma_start3A_170 = tpu.memref_slice %arg5[%dma_start3A_168, %dma_start3A_169] : memref<1000000x16xf32, #tpu.memory_space<hbm>> -> memref<1000000x16xf32, #tpu.memory_space<hbm>>
    tpu.enqueue_indirect_dma source(%dma_start3A_170 : memref<1000000x16xf32, #tpu.memory_space<hbm>>) target(%dma_start3A_165 : memref<512x16xf32, #tpu.memory_space<vmem>>) offsets(%dma_start3A_167 : memref<512xi32, #tpu.memory_space<vmem>>) semaphore(%arg15 : memref<!tpu.dma_semaphore, #tpu.memory_space<semaphore_mem>>)
    %dma_start3A_171 = arith.constant 512 : i32
    %dma_start3A_172 = arith.constant 0 : i32
    %dma_start3A_173 = tpu.memref_slice %arg13[%dma_start3A_171, %dma_start3A_172] : memref<2048x16xf32, #tpu.memory_space<vmem>> -> memref<512x16xf32, #tpu.memory_space<vmem>>
    %dma_start3A_174 = arith.constant 4608 : i32
    %dma_start3A_175 = tpu.memref_slice %arg11[%dma_start3A_174] : memref<7168xi32, #tpu.memory_space<vmem>> -> memref<512xi32, #tpu.memory_space<vmem>>
    %dma_start3A_176 = arith.constant 0 : i32
    %dma_start3A_177 = arith.constant 0 : i32
    %dma_start3A_178 = tpu.memref_slice %arg5[%dma_start3A_176, %dma_start3A_177] : memref<1000000x16xf32, #tpu.memory_space<hbm>> -> memref<1000000x16xf32, #tpu.memory_space<hbm>>
    tpu.enqueue_indirect_dma source(%dma_start3A_178 : memref<1000000x16xf32, #tpu.memory_space<hbm>>) target(%dma_start3A_173 : memref<512x16xf32, #tpu.memory_space<vmem>>) offsets(%dma_start3A_175 : memref<512xi32, #tpu.memory_space<vmem>>) semaphore(%arg15 : memref<!tpu.dma_semaphore, #tpu.memory_space<semaphore_mem>>)
    %dma_start3A_179 = arith.constant 1024 : i32
    %dma_start3A_180 = arith.constant 0 : i32
    %dma_start3A_181 = tpu.memref_slice %arg13[%dma_start3A_179, %dma_start3A_180] : memref<2048x16xf32, #tpu.memory_space<vmem>> -> memref<512x16xf32, #tpu.memory_space<vmem>>
    %dma_start3A_182 = arith.constant 5120 : i32
    %dma_start3A_183 = tpu.memref_slice %arg11[%dma_start3A_182] : memref<7168xi32, #tpu.memory_space<vmem>> -> memref<512xi32, #tpu.memory_space<vmem>>
    %dma_start3A_184 = arith.constant 0 : i32
    %dma_start3A_185 = arith.constant 0 : i32
    %dma_start3A_186 = tpu.memref_slice %arg5[%dma_start3A_184, %dma_start3A_185] : memref<1000000x16xf32, #tpu.memory_space<hbm>> -> memref<1000000x16xf32, #tpu.memory_space<hbm>>
    tpu.enqueue_indirect_dma source(%dma_start3A_186 : memref<1000000x16xf32, #tpu.memory_space<hbm>>) target(%dma_start3A_181 : memref<512x16xf32, #tpu.memory_space<vmem>>) offsets(%dma_start3A_183 : memref<512xi32, #tpu.memory_space<vmem>>) semaphore(%arg15 : memref<!tpu.dma_semaphore, #tpu.memory_space<semaphore_mem>>)
    %dma_start3A_187 = arith.constant 1536 : i32
    %dma_start3A_188 = arith.constant 0 : i32
    %dma_start3A_189 = tpu.memref_slice %arg13[%dma_start3A_187, %dma_start3A_188] : memref<2048x16xf32, #tpu.memory_space<vmem>> -> memref<512x16xf32, #tpu.memory_space<vmem>>
    %dma_start3A_190 = arith.constant 5632 : i32
    %dma_start3A_191 = tpu.memref_slice %arg11[%dma_start3A_190] : memref<7168xi32, #tpu.memory_space<vmem>> -> memref<512xi32, #tpu.memory_space<vmem>>
    %dma_start3A_192 = arith.constant 0 : i32
    %dma_start3A_193 = arith.constant 0 : i32
    %dma_start3A_194 = tpu.memref_slice %arg5[%dma_start3A_192, %dma_start3A_193] : memref<1000000x16xf32, #tpu.memory_space<hbm>> -> memref<1000000x16xf32, #tpu.memory_space<hbm>>
    tpu.enqueue_indirect_dma source(%dma_start3A_194 : memref<1000000x16xf32, #tpu.memory_space<hbm>>) target(%dma_start3A_189 : memref<512x16xf32, #tpu.memory_space<vmem>>) offsets(%dma_start3A_191 : memref<512xi32, #tpu.memory_space<vmem>>) semaphore(%arg15 : memref<!tpu.dma_semaphore, #tpu.memory_space<semaphore_mem>>)
    %dma_wait3A_195 = arith.constant 0 : i32
    %dma_wait3A_196 = arith.constant 0 : i32
    %dma_wait3A_197 = tpu.memref_slice %arg13[%dma_wait3A_195, %dma_wait3A_196] : memref<2048x16xf32, #tpu.memory_space<vmem>> -> memref<512x16xf32, #tpu.memory_space<vmem>>
    %dma_wait3A_198 = arith.constant 4096 : i32
    %dma_wait3A_199 = tpu.memref_slice %arg11[%dma_wait3A_198] : memref<7168xi32, #tpu.memory_space<vmem>> -> memref<512xi32, #tpu.memory_space<vmem>>
    %dma_wait3A_200 = arith.constant 0 : i32
    %dma_wait3A_201 = arith.constant 0 : i32
    %dma_wait3A_202 = tpu.memref_slice %arg5[%dma_wait3A_200, %dma_wait3A_201] : memref<1000000x16xf32, #tpu.memory_space<hbm>> -> memref<1000000x16xf32, #tpu.memory_space<hbm>>
    tpu.wait_indirect_dma semaphore(%arg15 : memref<!tpu.dma_semaphore, #tpu.memory_space<semaphore_mem>>) src(%dma_wait3A_202 : memref<1000000x16xf32, #tpu.memory_space<hbm>>) dst(%dma_wait3A_197 : memref<512x16xf32, #tpu.memory_space<vmem>>)
    %dma_wait3A_203 = arith.constant 512 : i32
    %dma_wait3A_204 = arith.constant 0 : i32
    %dma_wait3A_205 = tpu.memref_slice %arg13[%dma_wait3A_203, %dma_wait3A_204] : memref<2048x16xf32, #tpu.memory_space<vmem>> -> memref<512x16xf32, #tpu.memory_space<vmem>>
    %dma_wait3A_206 = arith.constant 4608 : i32
    %dma_wait3A_207 = tpu.memref_slice %arg11[%dma_wait3A_206] : memref<7168xi32, #tpu.memory_space<vmem>> -> memref<512xi32, #tpu.memory_space<vmem>>
    %dma_wait3A_208 = arith.constant 0 : i32
    %dma_wait3A_209 = arith.constant 0 : i32
    %dma_wait3A_210 = tpu.memref_slice %arg5[%dma_wait3A_208, %dma_wait3A_209] : memref<1000000x16xf32, #tpu.memory_space<hbm>> -> memref<1000000x16xf32, #tpu.memory_space<hbm>>
    tpu.wait_indirect_dma semaphore(%arg15 : memref<!tpu.dma_semaphore, #tpu.memory_space<semaphore_mem>>) src(%dma_wait3A_210 : memref<1000000x16xf32, #tpu.memory_space<hbm>>) dst(%dma_wait3A_205 : memref<512x16xf32, #tpu.memory_space<vmem>>)
    %dma_wait3A_211 = arith.constant 1024 : i32
    %dma_wait3A_212 = arith.constant 0 : i32
    %dma_wait3A_213 = tpu.memref_slice %arg13[%dma_wait3A_211, %dma_wait3A_212] : memref<2048x16xf32, #tpu.memory_space<vmem>> -> memref<512x16xf32, #tpu.memory_space<vmem>>
    %dma_wait3A_214 = arith.constant 5120 : i32
    %dma_wait3A_215 = tpu.memref_slice %arg11[%dma_wait3A_214] : memref<7168xi32, #tpu.memory_space<vmem>> -> memref<512xi32, #tpu.memory_space<vmem>>
    %dma_wait3A_216 = arith.constant 0 : i32
    %dma_wait3A_217 = arith.constant 0 : i32
    %dma_wait3A_218 = tpu.memref_slice %arg5[%dma_wait3A_216, %dma_wait3A_217] : memref<1000000x16xf32, #tpu.memory_space<hbm>> -> memref<1000000x16xf32, #tpu.memory_space<hbm>>
    tpu.wait_indirect_dma semaphore(%arg15 : memref<!tpu.dma_semaphore, #tpu.memory_space<semaphore_mem>>) src(%dma_wait3A_218 : memref<1000000x16xf32, #tpu.memory_space<hbm>>) dst(%dma_wait3A_213 : memref<512x16xf32, #tpu.memory_space<vmem>>)
    %dma_wait3A_219 = arith.constant 1536 : i32
    %dma_wait3A_220 = arith.constant 0 : i32
    %dma_wait3A_221 = tpu.memref_slice %arg13[%dma_wait3A_219, %dma_wait3A_220] : memref<2048x16xf32, #tpu.memory_space<vmem>> -> memref<512x16xf32, #tpu.memory_space<vmem>>
    %dma_wait3A_222 = arith.constant 5632 : i32
    %dma_wait3A_223 = tpu.memref_slice %arg11[%dma_wait3A_222] : memref<7168xi32, #tpu.memory_space<vmem>> -> memref<512xi32, #tpu.memory_space<vmem>>
    %dma_wait3A_224 = arith.constant 0 : i32
    %dma_wait3A_225 = arith.constant 0 : i32
    %dma_wait3A_226 = tpu.memref_slice %arg5[%dma_wait3A_224, %dma_wait3A_225] : memref<1000000x16xf32, #tpu.memory_space<hbm>> -> memref<1000000x16xf32, #tpu.memory_space<hbm>>
    tpu.wait_indirect_dma semaphore(%arg15 : memref<!tpu.dma_semaphore, #tpu.memory_space<semaphore_mem>>) src(%dma_wait3A_226 : memref<1000000x16xf32, #tpu.memory_space<hbm>>) dst(%dma_wait3A_221 : memref<512x16xf32, #tpu.memory_space<vmem>>)
    %add3A_227 = arith.constant 4096 : i32
    %add3A_228 = arith.addi %mul3A_2, %add3A_227 : i32
    %dma_start3A_229 = arith.constant 0 : i32
    %dma_start3A_230 = arith.constant 0 : i32
    %dma_start3A_231 = tpu.memref_slice %arg13[%dma_start3A_229, %dma_start3A_230] : memref<2048x16xf32, #tpu.memory_space<vmem>> -> memref<2048x16xf32, #tpu.memory_space<vmem>>
    %dma_start3A_232 = arith.constant 0 : i32
    %dma_start3A_233 = tpu.memref_slice %arg8[%add3A_228, %dma_start3A_232] : memref<229376x16xf32, #tpu.memory_space<hbm>> -> memref<2048x16xf32, #tpu.memory_space<hbm>>
    %dma_start3A_234 = arith.constant 0 : i32
    %dma_start3A_235 = tpu.memref_slice %arg8[%add3A_228, %dma_start3A_234] : memref<229376x16xf32, #tpu.memory_space<hbm>> -> memref<2048x16xf32, #tpu.memory_space<hbm>>
    %dma_start3A_236 = arith.constant 0 : i32
    %dma_start3A_237 = arith.constant 0 : i32
    %dma_start3A_238 = tpu.memref_slice %arg13[%dma_start3A_236, %dma_start3A_237] : memref<2048x16xf32, #tpu.memory_space<vmem>> -> memref<2048x16xf32, #tpu.memory_space<vmem>>
    tpu.enqueue_dma source(%dma_start3A_238 : memref<2048x16xf32, #tpu.memory_space<vmem>>) target(%dma_start3A_235 : memref<2048x16xf32, #tpu.memory_space<hbm>>) target_semaphore(%arg17 : memref<!tpu.dma_semaphore, #tpu.memory_space<semaphore_mem>>)
    %dma_wait3A_239 = arith.constant 0 : i32
    %dma_wait3A_240 = arith.constant 0 : i32
    %dma_wait3A_241 = tpu.memref_slice %arg14[%dma_wait3A_239, %dma_wait3A_240] : memref<2048x16xf32, #tpu.memory_space<vmem>> -> memref<2048x16xf32, #tpu.memory_space<vmem>>
    %dma_wait3A_242 = arith.constant 0 : i32
    %dma_wait3A_243 = tpu.memref_slice %arg8[%add3A_142, %dma_wait3A_242] : memref<229376x16xf32, #tpu.memory_space<hbm>> -> memref<2048x16xf32, #tpu.memory_space<hbm>>
    %dma_wait3A_244 = arith.constant 0 : i32
    %dma_wait3A_245 = tpu.memref_slice %arg8[%add3A_142, %dma_wait3A_244] : memref<229376x16xf32, #tpu.memory_space<hbm>> -> memref<2048x16xf32, #tpu.memory_space<hbm>>
    %dma_wait3A_246 = arith.constant 0 : i32
    %dma_wait3A_247 = arith.constant 0 : i32
    %dma_wait3A_248 = tpu.memref_slice %arg14[%dma_wait3A_246, %dma_wait3A_247] : memref<2048x16xf32, #tpu.memory_space<vmem>> -> memref<2048x16xf32, #tpu.memory_space<vmem>>
    tpu.wait_dma2 semaphore(%arg18 : memref<!tpu.dma_semaphore, #tpu.memory_space<semaphore_mem>>) src(%dma_wait3A_248 : memref<2048x16xf32, #tpu.memory_space<vmem>>) dst(%dma_wait3A_245 : memref<2048x16xf32, #tpu.memory_space<hbm>>)
    %dma_start3A_249 = arith.constant 0 : i32
    %dma_start3A_250 = arith.constant 0 : i32
    %dma_start3A_251 = tpu.memref_slice %arg14[%dma_start3A_249, %dma_start3A_250] : memref<2048x16xf32, #tpu.memory_space<vmem>> -> memref<512x16xf32, #tpu.memory_space<vmem>>
    %dma_start3A_252 = arith.constant 6144 : i32
    %dma_start3A_253 = tpu.memref_slice %arg11[%dma_start3A_252] : memref<7168xi32, #tpu.memory_space<vmem>> -> memref<512xi32, #tpu.memory_space<vmem>>
    %dma_start3A_254 = arith.constant 0 : i32
    %dma_start3A_255 = arith.constant 0 : i32
    %dma_start3A_256 = tpu.memref_slice %arg5[%dma_start3A_254, %dma_start3A_255] : memref<1000000x16xf32, #tpu.memory_space<hbm>> -> memref<1000000x16xf32, #tpu.memory_space<hbm>>
    tpu.enqueue_indirect_dma source(%dma_start3A_256 : memref<1000000x16xf32, #tpu.memory_space<hbm>>) target(%dma_start3A_251 : memref<512x16xf32, #tpu.memory_space<vmem>>) offsets(%dma_start3A_253 : memref<512xi32, #tpu.memory_space<vmem>>) semaphore(%arg16 : memref<!tpu.dma_semaphore, #tpu.memory_space<semaphore_mem>>)
    %dma_start3A_257 = arith.constant 512 : i32
    %dma_start3A_258 = arith.constant 0 : i32
    %dma_start3A_259 = tpu.memref_slice %arg14[%dma_start3A_257, %dma_start3A_258] : memref<2048x16xf32, #tpu.memory_space<vmem>> -> memref<512x16xf32, #tpu.memory_space<vmem>>
    %dma_start3A_260 = arith.constant 6656 : i32
    %dma_start3A_261 = tpu.memref_slice %arg11[%dma_start3A_260] : memref<7168xi32, #tpu.memory_space<vmem>> -> memref<512xi32, #tpu.memory_space<vmem>>
    %dma_start3A_262 = arith.constant 0 : i32
    %dma_start3A_263 = arith.constant 0 : i32
    %dma_start3A_264 = tpu.memref_slice %arg5[%dma_start3A_262, %dma_start3A_263] : memref<1000000x16xf32, #tpu.memory_space<hbm>> -> memref<1000000x16xf32, #tpu.memory_space<hbm>>
    tpu.enqueue_indirect_dma source(%dma_start3A_264 : memref<1000000x16xf32, #tpu.memory_space<hbm>>) target(%dma_start3A_259 : memref<512x16xf32, #tpu.memory_space<vmem>>) offsets(%dma_start3A_261 : memref<512xi32, #tpu.memory_space<vmem>>) semaphore(%arg16 : memref<!tpu.dma_semaphore, #tpu.memory_space<semaphore_mem>>)
    %dma_wait3A_265 = arith.constant 0 : i32
    %dma_wait3A_266 = arith.constant 0 : i32
    %dma_wait3A_267 = tpu.memref_slice %arg14[%dma_wait3A_265, %dma_wait3A_266] : memref<2048x16xf32, #tpu.memory_space<vmem>> -> memref<512x16xf32, #tpu.memory_space<vmem>>
    %dma_wait3A_268 = arith.constant 6144 : i32
    %dma_wait3A_269 = tpu.memref_slice %arg11[%dma_wait3A_268] : memref<7168xi32, #tpu.memory_space<vmem>> -> memref<512xi32, #tpu.memory_space<vmem>>
    %dma_wait3A_270 = arith.constant 0 : i32
    %dma_wait3A_271 = arith.constant 0 : i32
    %dma_wait3A_272 = tpu.memref_slice %arg5[%dma_wait3A_270, %dma_wait3A_271] : memref<1000000x16xf32, #tpu.memory_space<hbm>> -> memref<1000000x16xf32, #tpu.memory_space<hbm>>
    tpu.wait_indirect_dma semaphore(%arg16 : memref<!tpu.dma_semaphore, #tpu.memory_space<semaphore_mem>>) src(%dma_wait3A_272 : memref<1000000x16xf32, #tpu.memory_space<hbm>>) dst(%dma_wait3A_267 : memref<512x16xf32, #tpu.memory_space<vmem>>)
    %dma_wait3A_273 = arith.constant 512 : i32
    %dma_wait3A_274 = arith.constant 0 : i32
    %dma_wait3A_275 = tpu.memref_slice %arg14[%dma_wait3A_273, %dma_wait3A_274] : memref<2048x16xf32, #tpu.memory_space<vmem>> -> memref<512x16xf32, #tpu.memory_space<vmem>>
    %dma_wait3A_276 = arith.constant 6656 : i32
    %dma_wait3A_277 = tpu.memref_slice %arg11[%dma_wait3A_276] : memref<7168xi32, #tpu.memory_space<vmem>> -> memref<512xi32, #tpu.memory_space<vmem>>
    %dma_wait3A_278 = arith.constant 0 : i32
    %dma_wait3A_279 = arith.constant 0 : i32
    %dma_wait3A_280 = tpu.memref_slice %arg5[%dma_wait3A_278, %dma_wait3A_279] : memref<1000000x16xf32, #tpu.memory_space<hbm>> -> memref<1000000x16xf32, #tpu.memory_space<hbm>>
    tpu.wait_indirect_dma semaphore(%arg16 : memref<!tpu.dma_semaphore, #tpu.memory_space<semaphore_mem>>) src(%dma_wait3A_280 : memref<1000000x16xf32, #tpu.memory_space<hbm>>) dst(%dma_wait3A_275 : memref<512x16xf32, #tpu.memory_space<vmem>>)
    %add3A_281 = arith.constant 6144 : i32
    %add3A_282 = arith.addi %mul3A_2, %add3A_281 : i32
    %dma_start3A_283 = arith.constant 0 : i32
    %dma_start3A_284 = arith.constant 0 : i32
    %dma_start3A_285 = tpu.memref_slice %arg14[%dma_start3A_283, %dma_start3A_284] : memref<2048x16xf32, #tpu.memory_space<vmem>> -> memref<1024x16xf32, #tpu.memory_space<vmem>>
    %dma_start3A_286 = arith.constant 0 : i32
    %dma_start3A_287 = tpu.memref_slice %arg8[%add3A_282, %dma_start3A_286] : memref<229376x16xf32, #tpu.memory_space<hbm>> -> memref<1024x16xf32, #tpu.memory_space<hbm>>
    %dma_start3A_288 = arith.constant 0 : i32
    %dma_start3A_289 = tpu.memref_slice %arg8[%add3A_282, %dma_start3A_288] : memref<229376x16xf32, #tpu.memory_space<hbm>> -> memref<1024x16xf32, #tpu.memory_space<hbm>>
    %dma_start3A_290 = arith.constant 0 : i32
    %dma_start3A_291 = arith.constant 0 : i32
    %dma_start3A_292 = tpu.memref_slice %arg14[%dma_start3A_290, %dma_start3A_291] : memref<2048x16xf32, #tpu.memory_space<vmem>> -> memref<1024x16xf32, #tpu.memory_space<vmem>>
    tpu.enqueue_dma source(%dma_start3A_292 : memref<1024x16xf32, #tpu.memory_space<vmem>>) target(%dma_start3A_289 : memref<1024x16xf32, #tpu.memory_space<hbm>>) target_semaphore(%arg18 : memref<!tpu.dma_semaphore, #tpu.memory_space<semaphore_mem>>)
    %dma_wait3A_293 = arith.constant 0 : i32
    %dma_wait3A_294 = arith.constant 0 : i32
    %dma_wait3A_295 = tpu.memref_slice %arg13[%dma_wait3A_293, %dma_wait3A_294] : memref<2048x16xf32, #tpu.memory_space<vmem>> -> memref<2048x16xf32, #tpu.memory_space<vmem>>
    %dma_wait3A_296 = arith.constant 0 : i32
    %dma_wait3A_297 = tpu.memref_slice %arg8[%add3A_228, %dma_wait3A_296] : memref<229376x16xf32, #tpu.memory_space<hbm>> -> memref<2048x16xf32, #tpu.memory_space<hbm>>
    %dma_wait3A_298 = arith.constant 0 : i32
    %dma_wait3A_299 = tpu.memref_slice %arg8[%add3A_228, %dma_wait3A_298] : memref<229376x16xf32, #tpu.memory_space<hbm>> -> memref<2048x16xf32, #tpu.memory_space<hbm>>
    %dma_wait3A_300 = arith.constant 0 : i32
    %dma_wait3A_301 = arith.constant 0 : i32
    %dma_wait3A_302 = tpu.memref_slice %arg13[%dma_wait3A_300, %dma_wait3A_301] : memref<2048x16xf32, #tpu.memory_space<vmem>> -> memref<2048x16xf32, #tpu.memory_space<vmem>>
    tpu.wait_dma2 semaphore(%arg17 : memref<!tpu.dma_semaphore, #tpu.memory_space<semaphore_mem>>) src(%dma_wait3A_302 : memref<2048x16xf32, #tpu.memory_space<vmem>>) dst(%dma_wait3A_299 : memref<2048x16xf32, #tpu.memory_space<hbm>>)
    %dma_wait3A_303 = arith.constant 0 : i32
    %dma_wait3A_304 = arith.constant 0 : i32
    %dma_wait3A_305 = tpu.memref_slice %arg14[%dma_wait3A_303, %dma_wait3A_304] : memref<2048x16xf32, #tpu.memory_space<vmem>> -> memref<1024x16xf32, #tpu.memory_space<vmem>>
    %dma_wait3A_306 = arith.constant 0 : i32
    %dma_wait3A_307 = tpu.memref_slice %arg8[%add3A_282, %dma_wait3A_306] : memref<229376x16xf32, #tpu.memory_space<hbm>> -> memref<1024x16xf32, #tpu.memory_space<hbm>>
    %dma_wait3A_308 = arith.constant 0 : i32
    %dma_wait3A_309 = tpu.memref_slice %arg8[%add3A_282, %dma_wait3A_308] : memref<229376x16xf32, #tpu.memory_space<hbm>> -> memref<1024x16xf32, #tpu.memory_space<hbm>>
    %dma_wait3A_310 = arith.constant 0 : i32
    %dma_wait3A_311 = arith.constant 0 : i32
    %dma_wait3A_312 = tpu.memref_slice %arg14[%dma_wait3A_310, %dma_wait3A_311] : memref<2048x16xf32, #tpu.memory_space<vmem>> -> memref<1024x16xf32, #tpu.memory_space<vmem>>
    tpu.wait_dma2 semaphore(%arg18 : memref<!tpu.dma_semaphore, #tpu.memory_space<semaphore_mem>>) src(%dma_wait3A_312 : memref<1024x16xf32, #tpu.memory_space<vmem>>) dst(%dma_wait3A_309 : memref<1024x16xf32, #tpu.memory_space<hbm>>)
    %mul3A_313 = arith.constant 512 : i32
    %mul3A_314 = arith.muli %add3A, %mul3A_313 : i32
    "tpu.region"() ({
      %run_scoped3A = tpu.sem_alloc : memref<!tpu.dma_semaphore, #tpu.memory_space<semaphore_mem>>
      %dma_start3A_379 = tpu.memref_slice %arg3[%mul3A_314] : memref<16384xi32, #tpu.memory_space<hbm>> -> memref<512xi32, #tpu.memory_space<hbm>>
      %dma_start3A_380 = tpu.memref_slice %arg3[%mul3A_314] : memref<16384xi32, #tpu.memory_space<hbm>> -> memref<512xi32, #tpu.memory_space<hbm>>
      tpu.enqueue_dma source(%dma_start3A_380 : memref<512xi32, #tpu.memory_space<hbm>>) target(%arg12 : memref<512xi32, #tpu.memory_space<vmem>>) target_semaphore(%run_scoped3A : memref<!tpu.dma_semaphore, #tpu.memory_space<semaphore_mem>>)
      %dma_wait3A_381 = tpu.memref_slice %arg3[%mul3A_314] : memref<16384xi32, #tpu.memory_space<hbm>> -> memref<512xi32, #tpu.memory_space<hbm>>
      %dma_wait3A_382 = tpu.memref_slice %arg3[%mul3A_314] : memref<16384xi32, #tpu.memory_space<hbm>> -> memref<512xi32, #tpu.memory_space<hbm>>
      tpu.wait_dma2 semaphore(%run_scoped3A : memref<!tpu.dma_semaphore, #tpu.memory_space<semaphore_mem>>) src(%dma_wait3A_382 : memref<512xi32, #tpu.memory_space<hbm>>) dst(%arg12 : memref<512xi32, #tpu.memory_space<vmem>>)
      tpu.yield
    }) : () -> ()
    %dma_start3A_315 = arith.constant 0 : i32
    %dma_start3A_316 = arith.constant 0 : i32
    %dma_start3A_317 = tpu.memref_slice %arg13[%dma_start3A_315, %dma_start3A_316] : memref<2048x16xf32, #tpu.memory_space<vmem>> -> memref<512x16xf32, #tpu.memory_space<vmem>>
    %dma_start3A_318 = arith.constant 0 : i32
    %dma_start3A_319 = arith.constant 0 : i32
    %dma_start3A_320 = tpu.memref_slice %arg6[%dma_start3A_318, %dma_start3A_319] : memref<400x16xf32, #tpu.memory_space<hbm>> -> memref<400x16xf32, #tpu.memory_space<hbm>>
    tpu.enqueue_indirect_dma source(%dma_start3A_320 : memref<400x16xf32, #tpu.memory_space<hbm>>) target(%dma_start3A_317 : memref<512x16xf32, #tpu.memory_space<vmem>>) offsets(%arg12 : memref<512xi32, #tpu.memory_space<vmem>>) semaphore(%arg15 : memref<!tpu.dma_semaphore, #tpu.memory_space<semaphore_mem>>)
    %dma_wait3A_321 = arith.constant 0 : i32
    %dma_wait3A_322 = arith.constant 0 : i32
    %dma_wait3A_323 = tpu.memref_slice %arg13[%dma_wait3A_321, %dma_wait3A_322] : memref<2048x16xf32, #tpu.memory_space<vmem>> -> memref<512x16xf32, #tpu.memory_space<vmem>>
    %dma_wait3A_324 = arith.constant 0 : i32
    %dma_wait3A_325 = arith.constant 0 : i32
    %dma_wait3A_326 = tpu.memref_slice %arg6[%dma_wait3A_324, %dma_wait3A_325] : memref<400x16xf32, #tpu.memory_space<hbm>> -> memref<400x16xf32, #tpu.memory_space<hbm>>
    tpu.wait_indirect_dma semaphore(%arg15 : memref<!tpu.dma_semaphore, #tpu.memory_space<semaphore_mem>>) src(%dma_wait3A_326 : memref<400x16xf32, #tpu.memory_space<hbm>>) dst(%dma_wait3A_323 : memref<512x16xf32, #tpu.memory_space<vmem>>)
    %dma_start3A_327 = arith.constant 0 : i32
    %dma_start3A_328 = arith.constant 0 : i32
    %dma_start3A_329 = tpu.memref_slice %arg13[%dma_start3A_327, %dma_start3A_328] : memref<2048x16xf32, #tpu.memory_space<vmem>> -> memref<512x16xf32, #tpu.memory_space<vmem>>
    %dma_start3A_330 = arith.constant 0 : i32
    %dma_start3A_331 = tpu.memref_slice %arg9[%mul3A_314, %dma_start3A_330] : memref<16384x16xf32, #tpu.memory_space<hbm>> -> memref<512x16xf32, #tpu.memory_space<hbm>>
    %dma_start3A_332 = arith.constant 0 : i32
    %dma_start3A_333 = tpu.memref_slice %arg9[%mul3A_314, %dma_start3A_332] : memref<16384x16xf32, #tpu.memory_space<hbm>> -> memref<512x16xf32, #tpu.memory_space<hbm>>
    %dma_start3A_334 = arith.constant 0 : i32
    %dma_start3A_335 = arith.constant 0 : i32
    %dma_start3A_336 = tpu.memref_slice %arg13[%dma_start3A_334, %dma_start3A_335] : memref<2048x16xf32, #tpu.memory_space<vmem>> -> memref<512x16xf32, #tpu.memory_space<vmem>>
    tpu.enqueue_dma source(%dma_start3A_336 : memref<512x16xf32, #tpu.memory_space<vmem>>) target(%dma_start3A_333 : memref<512x16xf32, #tpu.memory_space<hbm>>) target_semaphore(%arg17 : memref<!tpu.dma_semaphore, #tpu.memory_space<semaphore_mem>>)
    %dma_wait3A_337 = arith.constant 0 : i32
    %dma_wait3A_338 = arith.constant 0 : i32
    %dma_wait3A_339 = tpu.memref_slice %arg13[%dma_wait3A_337, %dma_wait3A_338] : memref<2048x16xf32, #tpu.memory_space<vmem>> -> memref<512x16xf32, #tpu.memory_space<vmem>>
    %dma_wait3A_340 = arith.constant 0 : i32
    %dma_wait3A_341 = tpu.memref_slice %arg9[%mul3A_314, %dma_wait3A_340] : memref<16384x16xf32, #tpu.memory_space<hbm>> -> memref<512x16xf32, #tpu.memory_space<hbm>>
    %dma_wait3A_342 = arith.constant 0 : i32
    %dma_wait3A_343 = tpu.memref_slice %arg9[%mul3A_314, %dma_wait3A_342] : memref<16384x16xf32, #tpu.memory_space<hbm>> -> memref<512x16xf32, #tpu.memory_space<hbm>>
    %dma_wait3A_344 = arith.constant 0 : i32
    %dma_wait3A_345 = arith.constant 0 : i32
    %dma_wait3A_346 = tpu.memref_slice %arg13[%dma_wait3A_344, %dma_wait3A_345] : memref<2048x16xf32, #tpu.memory_space<vmem>> -> memref<512x16xf32, #tpu.memory_space<vmem>>
    tpu.wait_dma2 semaphore(%arg17 : memref<!tpu.dma_semaphore, #tpu.memory_space<semaphore_mem>>) src(%dma_wait3A_346 : memref<512x16xf32, #tpu.memory_space<vmem>>) dst(%dma_wait3A_343 : memref<512x16xf32, #tpu.memory_space<hbm>>)
    "tpu.region"() ({
      %run_scoped3A = tpu.sem_alloc : memref<!tpu.dma_semaphore, #tpu.memory_space<semaphore_mem>>
      %dma_start3A_379 = tpu.memref_slice %arg4[%mul3A_314] : memref<16384xi32, #tpu.memory_space<hbm>> -> memref<512xi32, #tpu.memory_space<hbm>>
      %dma_start3A_380 = tpu.memref_slice %arg4[%mul3A_314] : memref<16384xi32, #tpu.memory_space<hbm>> -> memref<512xi32, #tpu.memory_space<hbm>>
      tpu.enqueue_dma source(%dma_start3A_380 : memref<512xi32, #tpu.memory_space<hbm>>) target(%arg12 : memref<512xi32, #tpu.memory_space<vmem>>) target_semaphore(%run_scoped3A : memref<!tpu.dma_semaphore, #tpu.memory_space<semaphore_mem>>)
      %dma_wait3A_381 = tpu.memref_slice %arg4[%mul3A_314] : memref<16384xi32, #tpu.memory_space<hbm>> -> memref<512xi32, #tpu.memory_space<hbm>>
      %dma_wait3A_382 = tpu.memref_slice %arg4[%mul3A_314] : memref<16384xi32, #tpu.memory_space<hbm>> -> memref<512xi32, #tpu.memory_space<hbm>>
      tpu.wait_dma2 semaphore(%run_scoped3A : memref<!tpu.dma_semaphore, #tpu.memory_space<semaphore_mem>>) src(%dma_wait3A_382 : memref<512xi32, #tpu.memory_space<hbm>>) dst(%arg12 : memref<512xi32, #tpu.memory_space<vmem>>)
      tpu.yield
    }) : () -> ()
    %dma_start3A_347 = arith.constant 0 : i32
    %dma_start3A_348 = arith.constant 0 : i32
    %dma_start3A_349 = tpu.memref_slice %arg14[%dma_start3A_347, %dma_start3A_348] : memref<2048x16xf32, #tpu.memory_space<vmem>> -> memref<512x16xf32, #tpu.memory_space<vmem>>
    %dma_start3A_350 = arith.constant 0 : i32
    %dma_start3A_351 = arith.constant 0 : i32
    %dma_start3A_352 = tpu.memref_slice %arg7[%dma_start3A_350, %dma_start3A_351] : memref<100x16xf32, #tpu.memory_space<hbm>> -> memref<100x16xf32, #tpu.memory_space<hbm>>
    tpu.enqueue_indirect_dma source(%dma_start3A_352 : memref<100x16xf32, #tpu.memory_space<hbm>>) target(%dma_start3A_349 : memref<512x16xf32, #tpu.memory_space<vmem>>) offsets(%arg12 : memref<512xi32, #tpu.memory_space<vmem>>) semaphore(%arg16 : memref<!tpu.dma_semaphore, #tpu.memory_space<semaphore_mem>>)
    %dma_wait3A_353 = arith.constant 0 : i32
    %dma_wait3A_354 = arith.constant 0 : i32
    %dma_wait3A_355 = tpu.memref_slice %arg14[%dma_wait3A_353, %dma_wait3A_354] : memref<2048x16xf32, #tpu.memory_space<vmem>> -> memref<512x16xf32, #tpu.memory_space<vmem>>
    %dma_wait3A_356 = arith.constant 0 : i32
    %dma_wait3A_357 = arith.constant 0 : i32
    %dma_wait3A_358 = tpu.memref_slice %arg7[%dma_wait3A_356, %dma_wait3A_357] : memref<100x16xf32, #tpu.memory_space<hbm>> -> memref<100x16xf32, #tpu.memory_space<hbm>>
    tpu.wait_indirect_dma semaphore(%arg16 : memref<!tpu.dma_semaphore, #tpu.memory_space<semaphore_mem>>) src(%dma_wait3A_358 : memref<100x16xf32, #tpu.memory_space<hbm>>) dst(%dma_wait3A_355 : memref<512x16xf32, #tpu.memory_space<vmem>>)
    %dma_start3A_359 = arith.constant 0 : i32
    %dma_start3A_360 = arith.constant 0 : i32
    %dma_start3A_361 = tpu.memref_slice %arg14[%dma_start3A_359, %dma_start3A_360] : memref<2048x16xf32, #tpu.memory_space<vmem>> -> memref<512x16xf32, #tpu.memory_space<vmem>>
    %dma_start3A_362 = arith.constant 0 : i32
    %dma_start3A_363 = tpu.memref_slice %arg10[%mul3A_314, %dma_start3A_362] : memref<16384x16xf32, #tpu.memory_space<hbm>> -> memref<512x16xf32, #tpu.memory_space<hbm>>
    %dma_start3A_364 = arith.constant 0 : i32
    %dma_start3A_365 = tpu.memref_slice %arg10[%mul3A_314, %dma_start3A_364] : memref<16384x16xf32, #tpu.memory_space<hbm>> -> memref<512x16xf32, #tpu.memory_space<hbm>>
    %dma_start3A_366 = arith.constant 0 : i32
    %dma_start3A_367 = arith.constant 0 : i32
    %dma_start3A_368 = tpu.memref_slice %arg14[%dma_start3A_366, %dma_start3A_367] : memref<2048x16xf32, #tpu.memory_space<vmem>> -> memref<512x16xf32, #tpu.memory_space<vmem>>
    tpu.enqueue_dma source(%dma_start3A_368 : memref<512x16xf32, #tpu.memory_space<vmem>>) target(%dma_start3A_365 : memref<512x16xf32, #tpu.memory_space<hbm>>) target_semaphore(%arg18 : memref<!tpu.dma_semaphore, #tpu.memory_space<semaphore_mem>>)
    %dma_wait3A_369 = arith.constant 0 : i32
    %dma_wait3A_370 = arith.constant 0 : i32
    %dma_wait3A_371 = tpu.memref_slice %arg14[%dma_wait3A_369, %dma_wait3A_370] : memref<2048x16xf32, #tpu.memory_space<vmem>> -> memref<512x16xf32, #tpu.memory_space<vmem>>
    %dma_wait3A_372 = arith.constant 0 : i32
    %dma_wait3A_373 = tpu.memref_slice %arg10[%mul3A_314, %dma_wait3A_372] : memref<16384x16xf32, #tpu.memory_space<hbm>> -> memref<512x16xf32, #tpu.memory_space<hbm>>
    %dma_wait3A_374 = arith.constant 0 : i32
    %dma_wait3A_375 = tpu.memref_slice %arg10[%mul3A_314, %dma_wait3A_374] : memref<16384x16xf32, #tpu.memory_space<hbm>> -> memref<512x16xf32, #tpu.memory_space<hbm>>
    %dma_wait3A_376 = arith.constant 0 : i32
    %dma_wait3A_377 = arith.constant 0 : i32
    %dma_wait3A_378 = tpu.memref_slice %arg14[%dma_wait3A_376, %dma_wait3A_377] : memref<2048x16xf32, #tpu.memory_space<vmem>> -> memref<512x16xf32, #tpu.memory_space<vmem>>
    tpu.wait_dma2 semaphore(%arg18 : memref<!tpu.dma_semaphore, #tpu.memory_space<semaphore_mem>>) src(%dma_wait3A_378 : memref<512x16xf32, #tpu.memory_space<vmem>>) dst(%dma_wait3A_375 : memref<512x16xf32, #tpu.memory_space<hbm>>)
    return
  }
}

module attributes {stable_mosaic.version = 14 : i64} {
  func.func @_transpose_body(%arg0: i32, %arg1: memref<16x16384xf32, #tpu.memory_space<vmem>>, %arg2: memref<2048x128xf32, #tpu.memory_space<vmem>>) attributes {dimension_semantics = [#tpu.dimension_semantics<arbitrary>], iteration_bounds = array<i64: 61>, scalar_prefetch = 0 : i64, scratch_operands = 0 : i64, tpu.core_type = #tpu.core_type<tc>, window_params = [{transform_indices = @transform_0, window_bounds = array<i64: 16, 16384>}, {transform_indices = @transform_1, window_bounds = array<i64: 2048, 128>}]} {
    %get3A = arith.constant 0 : index
    %get3A_0 = arith.constant 0 : index
    %get3A_1 = vector.load %arg1[%get3A, %get3A_0] : memref<16x16384xf32, #tpu.memory_space<vmem>>, vector<16x16384xf32>
    %transpose3A = tpu.transpose %get3A_1, [1, 0] : vector<16x16384xf32> -> vector<16384x16xf32>
    %reshape3A = vector.shape_cast %transpose3A : vector<16384x16xf32> to vector<2048x8x16xf32>
    %slice3A = vector.extract_strided_slice %reshape3A {offsets = [0, 0, 0], sizes = [2048, 1, 16], strides = [1, 1, 1]} : vector<2048x8x16xf32> to vector<2048x1x16xf32>
    %squeeze3A = vector.shape_cast %slice3A : vector<2048x1x16xf32> to vector<2048x16xf32>
    %slice3A_2 = vector.extract_strided_slice %reshape3A {offsets = [0, 1, 0], sizes = [2048, 1, 16], strides = [1, 1, 1]} : vector<2048x8x16xf32> to vector<2048x1x16xf32>
    %squeeze3A_3 = vector.shape_cast %slice3A_2 : vector<2048x1x16xf32> to vector<2048x16xf32>
    %slice3A_4 = vector.extract_strided_slice %reshape3A {offsets = [0, 2, 0], sizes = [2048, 1, 16], strides = [1, 1, 1]} : vector<2048x8x16xf32> to vector<2048x1x16xf32>
    %squeeze3A_5 = vector.shape_cast %slice3A_4 : vector<2048x1x16xf32> to vector<2048x16xf32>
    %slice3A_6 = vector.extract_strided_slice %reshape3A {offsets = [0, 3, 0], sizes = [2048, 1, 16], strides = [1, 1, 1]} : vector<2048x8x16xf32> to vector<2048x1x16xf32>
    %squeeze3A_7 = vector.shape_cast %slice3A_6 : vector<2048x1x16xf32> to vector<2048x16xf32>
    %slice3A_8 = vector.extract_strided_slice %reshape3A {offsets = [0, 4, 0], sizes = [2048, 1, 16], strides = [1, 1, 1]} : vector<2048x8x16xf32> to vector<2048x1x16xf32>
    %squeeze3A_9 = vector.shape_cast %slice3A_8 : vector<2048x1x16xf32> to vector<2048x16xf32>
    %slice3A_10 = vector.extract_strided_slice %reshape3A {offsets = [0, 5, 0], sizes = [2048, 1, 16], strides = [1, 1, 1]} : vector<2048x8x16xf32> to vector<2048x1x16xf32>
    %squeeze3A_11 = vector.shape_cast %slice3A_10 : vector<2048x1x16xf32> to vector<2048x16xf32>
    %slice3A_12 = vector.extract_strided_slice %reshape3A {offsets = [0, 6, 0], sizes = [2048, 1, 16], strides = [1, 1, 1]} : vector<2048x8x16xf32> to vector<2048x1x16xf32>
    %squeeze3A_13 = vector.shape_cast %slice3A_12 : vector<2048x1x16xf32> to vector<2048x16xf32>
    %slice3A_14 = vector.extract_strided_slice %reshape3A {offsets = [0, 7, 0], sizes = [2048, 1, 16], strides = [1, 1, 1]} : vector<2048x8x16xf32> to vector<2048x1x16xf32>
    %squeeze3A_15 = vector.shape_cast %slice3A_14 : vector<2048x1x16xf32> to vector<2048x16xf32>
    %concatenate3A = tpu.concatenate %squeeze3A, %squeeze3A_3, %squeeze3A_5, %squeeze3A_7, %squeeze3A_9, %squeeze3A_11, %squeeze3A_13, %squeeze3A_15 in 1 : vector<2048x16xf32>, vector<2048x16xf32>, vector<2048x16xf32>, vector<2048x16xf32>, vector<2048x16xf32>, vector<2048x16xf32>, vector<2048x16xf32>, vector<2048x16xf32> -> vector<2048x128xf32>
    %swap3A = arith.constant 0 : index
    %swap3A_16 = arith.constant 0 : index
    %swap3A_17 = vector.load %arg2[%swap3A, %swap3A_16] : memref<2048x128xf32, #tpu.memory_space<vmem>>, vector<2048x128xf32>
    tpu.vector_store %arg2[%swap3A, %swap3A_16], %concatenate3A {strides = array<i32>} : memref<2048x128xf32, #tpu.memory_space<vmem>>, vector<2048x128xf32>,
    return
  }
  func.func @transform_0(%arg0: i32) -> (i32, i32) {
    %c0_i32 = arith.constant 0 : i32
    %c0_i32_0 = arith.constant 0 : i32
    return %c0_i32, %arg0 : i32, i32
  }
  func.func @transform_1(%arg0: i32) -> (i32, i32) {
    %c0_i32 = arith.constant 0 : i32
    %c0_i32_0 = arith.constant 0 : i32
    return %arg0, %c0_i32 : i32, i32
  }
}

module attributes {stable_mosaic.version = 14 : i64} {
  func.func @_tc_body(%arg0: i32, %arg1: memref<2048x224xf32, #tpu.memory_space<vmem>>, %arg2: memref<2048x16xf32, #tpu.memory_space<vmem>>, %arg3: memref<2048x16xf32, #tpu.memory_space<vmem>>, %arg4: memref<224x224xf32, #tpu.memory_space<vmem>>, %arg5: memref<224x14xf32, #tpu.memory_space<vmem>>, %arg6: memref<14x224xf32, #tpu.memory_space<vmem>>, %arg7: memref<14x8xf32, #tpu.memory_space<vmem>>, %arg8: memref<224x8xf32, #tpu.memory_space<vmem>>, %arg9: memref<16x8xf32, #tpu.memory_space<vmem>>, %arg10: memref<16x8xf32, #tpu.memory_space<vmem>>, %arg11: memref<1x8xf32, #tpu.memory_space<vmem>>, %arg12: memref<1x8xf32, #tpu.memory_space<vmem>>, %arg13: memref<1x8xf32, #tpu.memory_space<vmem>>, %arg14: memref<1x8xf32, #tpu.memory_space<vmem>>, %arg15: memref<1x1xf32, #tpu.memory_space<vmem>>, %arg16: memref<1x1xf32, #tpu.memory_space<vmem>>, %arg17: memref<1x1xf32, #tpu.memory_space<vmem>>, %arg18: memref<2048x1xf32, #tpu.memory_space<vmem>>) attributes {dimension_semantics = [#tpu.dimension_semantics<arbitrary>], iteration_bounds = array<i64: 8>, scalar_prefetch = 0 : i64, scratch_operands = 0 : i64, tpu.core_type = #tpu.core_type<tc>, window_params = [{transform_indices = @transform_0, window_bounds = array<i64: 2048, 224>}, {transform_indices = @transform_1, window_bounds = array<i64: 2048, 16>}, {transform_indices = @transform_2, window_bounds = array<i64: 2048, 16>}, {pipeline_mode = #tpu.pipeline_mode<synchronous>, transform_indices = @transform_3, window_bounds = array<i64: 224, 224>}, {pipeline_mode = #tpu.pipeline_mode<synchronous>, transform_indices = @transform_4, window_bounds = array<i64: 224, 14>}, {pipeline_mode = #tpu.pipeline_mode<synchronous>, transform_indices = @transform_5, window_bounds = array<i64: 14, 224>}, {pipeline_mode = #tpu.pipeline_mode<synchronous>, transform_indices = @transform_6, window_bounds = array<i64: 14, 8>}, {pipeline_mode = #tpu.pipeline_mode<synchronous>, transform_indices = @transform_7, window_bounds = array<i64: 224, 8>}, {pipeline_mode = #tpu.pipeline_mode<synchronous>, transform_indices = @transform_8, window_bounds = array<i64: 16, 8>}, {pipeline_mode = #tpu.pipeline_mode<synchronous>, transform_indices = @transform_9, window_bounds = array<i64: 16, 8>}, {pipeline_mode = #tpu.pipeline_mode<synchronous>, transform_indices = @transform_10, window_bounds = array<i64: 1, 8>}, {pipeline_mode = #tpu.pipeline_mode<synchronous>, transform_indices = @transform_11, window_bounds = array<i64: 1, 8>}, {pipeline_mode = #tpu.pipeline_mode<synchronous>, transform_indices = @transform_12, window_bounds = array<i64: 1, 8>}, {pipeline_mode = #tpu.pipeline_mode<synchronous>, transform_indices = @transform_13, window_bounds = array<i64: 1, 8>}, {pipeline_mode = #tpu.pipeline_mode<synchronous>, transform_indices = @transform_14, window_bounds = array<i64: 1, 1>}, {pipeline_mode = #tpu.pipeline_mode<synchronous>, transform_indices = @transform_15, window_bounds = array<i64: 1, 1>}, {pipeline_mode = #tpu.pipeline_mode<synchronous>, transform_indices = @transform_16, window_bounds = array<i64: 1, 1>}, {transform_indices = @transform_17, window_bounds = array<i64: 2048, 1>}]} {
    %get3A = arith.constant 0 : index
    %get3A_0 = arith.constant 0 : index
    %get3A_1 = vector.load %arg1[%get3A, %get3A_0] : memref<2048x224xf32, #tpu.memory_space<vmem>>, vector<2048x224xf32>
    %get3A_2 = arith.constant 0 : index
    %get3A_3 = arith.constant 0 : index
    %get3A_4 = vector.load %arg4[%get3A_2, %get3A_3] : memref<224x224xf32, #tpu.memory_space<vmem>>, vector<224x224xf32>
    %dot_general3A = arith.constant dense<0.000000e+00> : vector<2048x224xf32>
    %dot_general3A_5 = tpu.matmul %get3A_1, %get3A_4, %dot_general3A {dimension_numbers = #tpu.dot_dimension_numbers<[1], [0], [0], [1], [0, 0, 1, 1], [], []>, transpose_lhs_hint = false} : vector<2048x224xf32>, vector<224x224xf32>, vector<2048x224xf32> -> vector<2048x224xf32>
    %mul3A = arith.mulf %get3A_1, %dot_general3A_5 : vector<2048x224xf32>
    %get3A_6 = arith.constant 0 : index
    %get3A_7 = arith.constant 0 : index
    %get3A_8 = vector.load %arg5[%get3A_6, %get3A_7] : memref<224x14xf32, #tpu.memory_space<vmem>>, vector<224x14xf32>
    %dot_general3A_9 = arith.constant dense<0.000000e+00> : vector<2048x14xf32>
    %dot_general3A_10 = tpu.matmul %mul3A, %get3A_8, %dot_general3A_9 {dimension_numbers = #tpu.dot_dimension_numbers<[1], [0], [0], [1], [0, 0, 1, 1], [], []>, transpose_lhs_hint = false} : vector<2048x224xf32>, vector<224x14xf32>, vector<2048x14xf32> -> vector<2048x14xf32>
    %mul3A_11 = arith.constant 2.500000e-01 : f32
    %mul3A_12 = vector.broadcast %mul3A_11 : f32 to vector<2048x14xf32>
    %mul3A_13 = arith.mulf %dot_general3A_10, %mul3A_12 : vector<2048x14xf32>
    %slice3A = vector.extract_strided_slice %mul3A_13 {offsets = [0, 0], sizes = [2048, 7], strides = [1, 1]} : vector<2048x14xf32> to vector<2048x7xf32>
    %reduce_max3A = arith.constant dense<0xFF800000> : vector<2048xf32>
    %reduce_max3A_14 = vector.multi_reduction <maximumf>, %slice3A, %reduce_max3A [1] : vector<2048x7xf32> to vector<2048xf32>
    %broadcast_in_dim3A = vector.shape_cast %reduce_max3A_14 : vector<2048xf32> to vector<2048x1xf32>
    %sub3A = vector.broadcast %broadcast_in_dim3A : vector<2048x1xf32> to vector<2048x7xf32>
    %sub3A_15 = arith.subf %slice3A, %sub3A : vector<2048x7xf32>
    %exp3A = math.exp %sub3A_15 : vector<2048x7xf32>
    %reduce_sum3A = arith.constant dense<0.000000e+00> : vector<2048xf32>
    %reduce_sum3A_16 = vector.multi_reduction <add>, %exp3A, %reduce_sum3A [1] : vector<2048x7xf32> to vector<2048xf32>
    %broadcast_in_dim3A_17 = vector.shape_cast %reduce_sum3A_16 : vector<2048xf32> to vector<2048x1xf32>
    %div3A = vector.broadcast %broadcast_in_dim3A_17 : vector<2048x1xf32> to vector<2048x7xf32>
    %div3A_18 = arith.divf %exp3A, %div3A : vector<2048x7xf32>
    %slice3A_19 = vector.extract_strided_slice %mul3A_13 {offsets = [0, 7], sizes = [2048, 7], strides = [1, 1]} : vector<2048x14xf32> to vector<2048x7xf32>
    %reduce_max3A_20 = arith.constant dense<0xFF800000> : vector<2048xf32>
    %reduce_max3A_21 = vector.multi_reduction <maximumf>, %slice3A_19, %reduce_max3A_20 [1] : vector<2048x7xf32> to vector<2048xf32>
    %broadcast_in_dim3A_22 = vector.shape_cast %reduce_max3A_21 : vector<2048xf32> to vector<2048x1xf32>
    %sub3A_23 = vector.broadcast %broadcast_in_dim3A_22 : vector<2048x1xf32> to vector<2048x7xf32>
    %sub3A_24 = arith.subf %slice3A_19, %sub3A_23 : vector<2048x7xf32>
    %exp3A_25 = math.exp %sub3A_24 : vector<2048x7xf32>
    %reduce_sum3A_26 = arith.constant dense<0.000000e+00> : vector<2048xf32>
    %reduce_sum3A_27 = vector.multi_reduction <add>, %exp3A_25, %reduce_sum3A_26 [1] : vector<2048x7xf32> to vector<2048xf32>
    %broadcast_in_dim3A_28 = vector.shape_cast %reduce_sum3A_27 : vector<2048xf32> to vector<2048x1xf32>
    %div3A_29 = vector.broadcast %broadcast_in_dim3A_28 : vector<2048x1xf32> to vector<2048x7xf32>
    %div3A_30 = arith.divf %exp3A_25, %div3A_29 : vector<2048x7xf32>
    %concatenate3A = tpu.concatenate %div3A_18, %div3A_30 in 1 : vector<2048x7xf32>, vector<2048x7xf32> -> vector<2048x14xf32>
    %get3A_31 = arith.constant 0 : index
    %get3A_32 = arith.constant 0 : index
    %get3A_33 = vector.load %arg6[%get3A_31, %get3A_32] : memref<14x224xf32, #tpu.memory_space<vmem>>, vector<14x224xf32>
    %dot_general3A_34 = arith.constant dense<0.000000e+00> : vector<2048x224xf32>
    %dot_general3A_35 = tpu.matmul %concatenate3A, %get3A_33, %dot_general3A_34 {dimension_numbers = #tpu.dot_dimension_numbers<[1], [0], [0], [1], [0, 0, 1, 1], [], []>, transpose_lhs_hint = false} : vector<2048x14xf32>, vector<14x224xf32>, vector<2048x224xf32> -> vector<2048x224xf32>
    %mul3A_36 = arith.mulf %get3A_1, %dot_general3A_35 : vector<2048x224xf32>
    %get3A_37 = arith.constant 0 : index
    %get3A_38 = arith.constant 0 : index
    %get3A_39 = vector.load %arg7[%get3A_37, %get3A_38] : memref<14x8xf32, #tpu.memory_space<vmem>>, vector<14x8xf32>
    %dot_general3A_40 = arith.constant dense<0.000000e+00> : vector<2048x8xf32>
    %dot_general3A_41 = tpu.matmul %concatenate3A, %get3A_39, %dot_general3A_40 {dimension_numbers = #tpu.dot_dimension_numbers<[1], [0], [0], [1], [0, 0, 1, 1], [], []>, transpose_lhs_hint = false} : vector<2048x14xf32>, vector<14x8xf32>, vector<2048x8xf32> -> vector<2048x8xf32>
    %get3A_42 = arith.constant 0 : index
    %get3A_43 = arith.constant 0 : index
    %get3A_44 = vector.load %arg8[%get3A_42, %get3A_43] : memref<224x8xf32, #tpu.memory_space<vmem>>, vector<224x8xf32>
    %dot_general3A_45 = arith.constant dense<0.000000e+00> : vector<2048x8xf32>
    %dot_general3A_46 = tpu.matmul %mul3A_36, %get3A_44, %dot_general3A_45 {dimension_numbers = #tpu.dot_dimension_numbers<[1], [0], [0], [1], [0, 0, 1, 1], [], []>, transpose_lhs_hint = false} : vector<2048x224xf32>, vector<224x8xf32>, vector<2048x8xf32> -> vector<2048x8xf32>
    %add3A = arith.addf %dot_general3A_41, %dot_general3A_46 : vector<2048x8xf32>
    %get3A_47 = arith.constant 0 : index
    %get3A_48 = arith.constant 0 : index
    %get3A_49 = vector.load %arg2[%get3A_47, %get3A_48] : memref<2048x16xf32, #tpu.memory_space<vmem>>, vector<2048x16xf32>
    %get3A_50 = arith.constant 0 : index
    %get3A_51 = arith.constant 0 : index
    %get3A_52 = vector.load %arg9[%get3A_50, %get3A_51] : memref<16x8xf32, #tpu.memory_space<vmem>>, vector<16x8xf32>
    %dot_general3A_53 = arith.constant dense<0.000000e+00> : vector<2048x8xf32>
    %dot_general3A_54 = tpu.matmul %get3A_49, %get3A_52, %dot_general3A_53 {dimension_numbers = #tpu.dot_dimension_numbers<[1], [0], [0], [1], [0, 0, 1, 1], [], []>, transpose_lhs_hint = false} : vector<2048x16xf32>, vector<16x8xf32>, vector<2048x8xf32> -> vector<2048x8xf32>
    %add3A_55 = arith.addf %add3A, %dot_general3A_54 : vector<2048x8xf32>
    %get3A_56 = arith.constant 0 : index
    %get3A_57 = arith.constant 0 : index
    %get3A_58 = vector.load %arg3[%get3A_56, %get3A_57] : memref<2048x16xf32, #tpu.memory_space<vmem>>, vector<2048x16xf32>
    %get3A_59 = arith.constant 0 : index
    %get3A_60 = arith.constant 0 : index
    %get3A_61 = vector.load %arg10[%get3A_59, %get3A_60] : memref<16x8xf32, #tpu.memory_space<vmem>>, vector<16x8xf32>
    %dot_general3A_62 = arith.constant dense<0.000000e+00> : vector<2048x8xf32>
    %dot_general3A_63 = tpu.matmul %get3A_58, %get3A_61, %dot_general3A_62 {dimension_numbers = #tpu.dot_dimension_numbers<[1], [0], [0], [1], [0, 0, 1, 1], [], []>, transpose_lhs_hint = false} : vector<2048x16xf32>, vector<16x8xf32>, vector<2048x8xf32> -> vector<2048x8xf32>
    %add3A_64 = arith.addf %add3A_55, %dot_general3A_63 : vector<2048x8xf32>
    %get3A_65 = arith.constant 0 : index
    %get3A_66 = arith.constant 0 : index
    %get3A_67 = vector.load %arg11[%get3A_65, %get3A_66] : memref<1x8xf32, #tpu.memory_space<vmem>>, vector<1x8xf32>
    %add3A_68 = vector.broadcast %get3A_67 : vector<1x8xf32> to vector<2048x8xf32>
    %add3A_69 = arith.addf %add3A_64, %add3A_68 : vector<2048x8xf32>
    %reduce_sum3A_70 = arith.constant dense<0.000000e+00> : vector<2048xf32>
    %reduce_sum3A_71 = vector.multi_reduction <add>, %add3A_69, %reduce_sum3A_70 [1] : vector<2048x8xf32> to vector<2048xf32>
    %broadcast_in_dim3A_72 = vector.shape_cast %reduce_sum3A_71 : vector<2048xf32> to vector<2048x1xf32>
    %div3A_73 = arith.constant 8.000000e+00 : f32
    %div3A_74 = vector.broadcast %div3A_73 : f32 to vector<2048x1xf32>
    %div3A_75 = arith.divf %broadcast_in_dim3A_72, %div3A_74 : vector<2048x1xf32>
    %sub3A_76 = vector.broadcast %div3A_75 : vector<2048x1xf32> to vector<2048x8xf32>
    %sub3A_77 = arith.subf %add3A_69, %sub3A_76 : vector<2048x8xf32>
    %integer_pow3A = arith.mulf %sub3A_77, %sub3A_77 : vector<2048x8xf32>
    %reduce_sum3A_78 = arith.constant dense<0.000000e+00> : vector<2048xf32>
    %reduce_sum3A_79 = vector.multi_reduction <add>, %integer_pow3A, %reduce_sum3A_78 [1] : vector<2048x8xf32> to vector<2048xf32>
    %broadcast_in_dim3A_80 = vector.shape_cast %reduce_sum3A_79 : vector<2048xf32> to vector<2048x1xf32>
    %div3A_81 = arith.constant 8.000000e+00 : f32
    %div3A_82 = vector.broadcast %div3A_81 : f32 to vector<2048x1xf32>
    %div3A_83 = arith.divf %broadcast_in_dim3A_80, %div3A_82 : vector<2048x1xf32>
    %get3A_84 = arith.constant 0 : index
    %get3A_85 = arith.constant 0 : index
    %get3A_86 = vector.load %arg12[%get3A_84, %get3A_85] : memref<1x8xf32, #tpu.memory_space<vmem>>, vector<1x8xf32>
    %sub3A_87 = vector.broadcast %div3A_75 : vector<2048x1xf32> to vector<2048x8xf32>
    %sub3A_88 = arith.subf %add3A_69, %sub3A_87 : vector<2048x8xf32>
    %mul3A_89 = vector.broadcast %get3A_86 : vector<1x8xf32> to vector<2048x8xf32>
    %mul3A_90 = arith.mulf %mul3A_89, %sub3A_88 : vector<2048x8xf32>
    %add3A_91 = arith.constant 1.000000e-03 : f32
    %add3A_92 = vector.broadcast %add3A_91 : f32 to vector<2048x1xf32>
    %add3A_93 = arith.addf %div3A_83, %add3A_92 : vector<2048x1xf32>
    %sqrt3A = math.sqrt %add3A_93 : vector<2048x1xf32>
    %div3A_94 = vector.broadcast %sqrt3A : vector<2048x1xf32> to vector<2048x8xf32>
    %div3A_95 = arith.divf %mul3A_90, %div3A_94 : vector<2048x8xf32>
    %get3A_96 = arith.constant 0 : index
    %get3A_97 = arith.constant 0 : index
    %get3A_98 = vector.load %arg13[%get3A_96, %get3A_97] : memref<1x8xf32, #tpu.memory_space<vmem>>, vector<1x8xf32>
    %add3A_99 = vector.broadcast %get3A_98 : vector<1x8xf32> to vector<2048x8xf32>
    %add3A_100 = arith.addf %div3A_95, %add3A_99 : vector<2048x8xf32>
    %max3A = arith.constant 0.000000e+00 : f32
    %max3A_101 = vector.broadcast %max3A : f32 to vector<2048x8xf32>
    %max3A_102 = arith.maximumf %add3A_100, %max3A_101 : vector<2048x8xf32>
    %get3A_103 = arith.constant 0 : index
    %get3A_104 = arith.constant 0 : index
    %get3A_105 = vector.load %arg14[%get3A_103, %get3A_104] : memref<1x8xf32, #tpu.memory_space<vmem>>, vector<1x8xf32>
    %mul3A_106 = vector.broadcast %get3A_105 : vector<1x8xf32> to vector<2048x8xf32>
    %mul3A_107 = arith.mulf %max3A_102, %mul3A_106 : vector<2048x8xf32>
    %reduce_sum3A_108 = arith.constant dense<0.000000e+00> : vector<2048xf32>
    %reduce_sum3A_109 = vector.multi_reduction <add>, %mul3A_107, %reduce_sum3A_108 [1] : vector<2048x8xf32> to vector<2048xf32>
    %broadcast_in_dim3A_110 = vector.shape_cast %reduce_sum3A_109 : vector<2048xf32> to vector<2048x1xf32>
    %get3A_111 = arith.constant 0 : index
    %get3A_112 = arith.constant 0 : index
    %get3A_113 = vector.load %arg15[%get3A_111, %get3A_112] : memref<1x1xf32, #tpu.memory_space<vmem>>, vector<1x1xf32>
    %add3A_114 = vector.broadcast %get3A_113 : vector<1x1xf32> to vector<2048x1xf32>
    %add3A_115 = arith.addf %broadcast_in_dim3A_110, %add3A_114 : vector<2048x1xf32>
    %reduce_sum3A_116 = arith.constant dense<0.000000e+00> : vector<2048xf32>
    %reduce_sum3A_117 = vector.multi_reduction <add>, %add3A_115, %reduce_sum3A_116 [1] : vector<2048x1xf32> to vector<2048xf32>
    %broadcast_in_dim3A_118 = vector.shape_cast %reduce_sum3A_117 : vector<2048xf32> to vector<2048x1xf32>
    %div3A_119 = arith.constant 1.000000e+00 : f32
    %div3A_120 = vector.broadcast %div3A_119 : f32 to vector<2048x1xf32>
    %div3A_121 = arith.divf %broadcast_in_dim3A_118, %div3A_120 : vector<2048x1xf32>
    %sub3A_122 = arith.subf %add3A_115, %div3A_121 : vector<2048x1xf32>
    %integer_pow3A_123 = arith.mulf %sub3A_122, %sub3A_122 : vector<2048x1xf32>
    %reduce_sum3A_124 = arith.constant dense<0.000000e+00> : vector<2048xf32>
    %reduce_sum3A_125 = vector.multi_reduction <add>, %integer_pow3A_123, %reduce_sum3A_124 [1] : vector<2048x1xf32> to vector<2048xf32>
    %broadcast_in_dim3A_126 = vector.shape_cast %reduce_sum3A_125 : vector<2048xf32> to vector<2048x1xf32>
    %div3A_127 = arith.constant 1.000000e+00 : f32
    %div3A_128 = vector.broadcast %div3A_127 : f32 to vector<2048x1xf32>
    %div3A_129 = arith.divf %broadcast_in_dim3A_126, %div3A_128 : vector<2048x1xf32>
    %get3A_130 = arith.constant 0 : index
    %get3A_131 = arith.constant 0 : index
    %get3A_132 = vector.load %arg16[%get3A_130, %get3A_131] : memref<1x1xf32, #tpu.memory_space<vmem>>, vector<1x1xf32>
    %sub3A_133 = arith.subf %add3A_115, %div3A_121 : vector<2048x1xf32>
    %mul3A_134 = vector.broadcast %get3A_132 : vector<1x1xf32> to vector<2048x1xf32>
    %mul3A_135 = arith.mulf %mul3A_134, %sub3A_133 : vector<2048x1xf32>
    %add3A_136 = arith.constant 1.000000e-03 : f32
    %add3A_137 = vector.broadcast %add3A_136 : f32 to vector<2048x1xf32>
    %add3A_138 = arith.addf %div3A_129, %add3A_137 : vector<2048x1xf32>
    %sqrt3A_139 = math.sqrt %add3A_138 : vector<2048x1xf32>
    %div3A_140 = arith.divf %mul3A_135, %sqrt3A_139 : vector<2048x1xf32>
    %get3A_141 = arith.constant 0 : index
    %get3A_142 = arith.constant 0 : index
    %get3A_143 = vector.load %arg17[%get3A_141, %get3A_142] : memref<1x1xf32, #tpu.memory_space<vmem>>, vector<1x1xf32>
    %add3A_144 = vector.broadcast %get3A_143 : vector<1x1xf32> to vector<2048x1xf32>
    %add3A_145 = arith.addf %div3A_140, %add3A_144 : vector<2048x1xf32>
    %max3A_146 = arith.constant 0.000000e+00 : f32
    %max3A_147 = vector.broadcast %max3A_146 : f32 to vector<2048x1xf32>
    %max3A_148 = arith.maximumf %add3A_145, %max3A_147 : vector<2048x1xf32>
    %swap3A = arith.constant 0 : index
    %swap3A_149 = arith.constant 0 : index
    %swap3A_150 = vector.load %arg18[%swap3A, %swap3A_149] : memref<2048x1xf32, #tpu.memory_space<vmem>>, vector<2048x1xf32>
    tpu.vector_store %arg18[%swap3A, %swap3A_149], %max3A_148 {strides = array<i32>} : memref<2048x1xf32, #tpu.memory_space<vmem>>, vector<2048x1xf32>,
    return
  }
  func.func @transform_0(%arg0: i32) -> (i32, i32) {
    %c0_i32 = arith.constant 0 : i32
    %c0_i32_0 = arith.constant 0 : i32
    return %arg0, %c0_i32 : i32, i32
  }
  func.func @transform_1(%arg0: i32) -> (i32, i32) {
    %c0_i32 = arith.constant 0 : i32
    %c0_i32_0 = arith.constant 0 : i32
    return %arg0, %c0_i32 : i32, i32
  }
  func.func @transform_2(%arg0: i32) -> (i32, i32) {
    %c0_i32 = arith.constant 0 : i32
    %c0_i32_0 = arith.constant 0 : i32
    return %arg0, %c0_i32 : i32, i32
  }
  func.func @transform_3(%arg0: i32) -> (i32, i32) {
    %c0_i32 = arith.constant 0 : i32
    %c0_i32_0 = arith.constant 0 : i32
    %c0_i32_1 = arith.constant 0 : i32
    return %c0_i32, %c0_i32_0 : i32, i32
  }
  func.func @transform_4(%arg0: i32) -> (i32, i32) {
    %c0_i32 = arith.constant 0 : i32
    %c0_i32_0 = arith.constant 0 : i32
    %c0_i32_1 = arith.constant 0 : i32
    return %c0_i32, %c0_i32_0 : i32, i32
  }
  func.func @transform_5(%arg0: i32) -> (i32, i32) {
    %c0_i32 = arith.constant 0 : i32
    %c0_i32_0 = arith.constant 0 : i32
    %c0_i32_1 = arith.constant 0 : i32
    return %c0_i32, %c0_i32_0 : i32, i32
  }
  func.func @transform_6(%arg0: i32) -> (i32, i32) {
    %c0_i32 = arith.constant 0 : i32
    %c0_i32_0 = arith.constant 0 : i32
    %c0_i32_1 = arith.constant 0 : i32
    return %c0_i32, %c0_i32_0 : i32, i32
  }
  func.func @transform_7(%arg0: i32) -> (i32, i32) {
    %c0_i32 = arith.constant 0 : i32
    %c0_i32_0 = arith.constant 0 : i32
    %c0_i32_1 = arith.constant 0 : i32
    return %c0_i32, %c0_i32_0 : i32, i32
  }
  func.func @transform_8(%arg0: i32) -> (i32, i32) {
    %c0_i32 = arith.constant 0 : i32
    %c0_i32_0 = arith.constant 0 : i32
    %c0_i32_1 = arith.constant 0 : i32
    return %c0_i32, %c0_i32_0 : i32, i32
  }
  func.func @transform_9(%arg0: i32) -> (i32, i32) {
    %c0_i32 = arith.constant 0 : i32
    %c0_i32_0 = arith.constant 0 : i32
    %c0_i32_1 = arith.constant 0 : i32
    return %c0_i32, %c0_i32_0 : i32, i32
  }
  func.func @transform_10(%arg0: i32) -> (i32, i32) {
    %c0_i32 = arith.constant 0 : i32
    %c0_i32_0 = arith.constant 0 : i32
    %c0_i32_1 = arith.constant 0 : i32
    return %c0_i32, %c0_i32_0 : i32, i32
  }
  func.func @transform_11(%arg0: i32) -> (i32, i32) {
    %c0_i32 = arith.constant 0 : i32
    %c0_i32_0 = arith.constant 0 : i32
    %c0_i32_1 = arith.constant 0 : i32
    return %c0_i32, %c0_i32_0 : i32, i32
  }
  func.func @transform_12(%arg0: i32) -> (i32, i32) {
    %c0_i32 = arith.constant 0 : i32
    %c0_i32_0 = arith.constant 0 : i32
    %c0_i32_1 = arith.constant 0 : i32
    return %c0_i32, %c0_i32_0 : i32, i32
  }
  func.func @transform_13(%arg0: i32) -> (i32, i32) {
    %c0_i32 = arith.constant 0 : i32
    %c0_i32_0 = arith.constant 0 : i32
    %c0_i32_1 = arith.constant 0 : i32
    return %c0_i32, %c0_i32_0 : i32, i32
  }
  func.func @transform_14(%arg0: i32) -> (i32, i32) {
    %c0_i32 = arith.constant 0 : i32
    %c0_i32_0 = arith.constant 0 : i32
    %c0_i32_1 = arith.constant 0 : i32
    return %c0_i32, %c0_i32_0 : i32, i32
  }
  func.func @transform_15(%arg0: i32) -> (i32, i32) {
    %c0_i32 = arith.constant 0 : i32
    %c0_i32_0 = arith.constant 0 : i32
    %c0_i32_1 = arith.constant 0 : i32
    return %c0_i32, %c0_i32_0 : i32, i32
  }
  func.func @transform_16(%arg0: i32) -> (i32, i32) {
    %c0_i32 = arith.constant 0 : i32
    %c0_i32_0 = arith.constant 0 : i32
    %c0_i32_1 = arith.constant 0 : i32
    return %c0_i32, %c0_i32_0 : i32, i32
  }
  func.func @transform_17(%arg0: i32) -> (i32, i32) {
    %c0_i32 = arith.constant 0 : i32
    %c0_i32_0 = arith.constant 0 : i32
    return %arg0, %c0_i32 : i32, i32
  }
}

</mosaic_0001>

<sc_bundles>
// kernel: kernel.5.cloned.1.call-start
scs
__scs_entry_jumppad:
0x0: {  	(pc) =	sbr.rel $0x88, $3  }
0x1: {  	(tag) =	ssettag $0x0;
	lr =	simm.s32 $0x1  }
0x2: {  	[smem:$0x3F92] =	sst lr;
	_ =	strace $0xD0000000  }
0x3: {  	_ = 	snop  }
0x4: {  	_ = 	snop  }
0x5: {  	_ = 	snop  }
0x6: {  	_ = 	snop  }
0x7: {  	_ = 	snop  }
__scs_overlays_trampoline_lowered:
0x8: {  	[smem:$0x3FA1] =	sst s0  }
0x9: {  	[smem:$0x3FA2] =	sst s1  }
0xa: {  	[smem:$0x3FA3] =	sst s2  }
0xb: {  	[smem:$0x3FA4] =	sst s3  }
0xc: {  	[smem:$0x3FA5] =	sst s4  }
0xd: {  	[smem:$0x3FA6] =	sst s5  }
0xe: {  	[smem:$0x3FA7] =	sst s6  }
0xf: {  	[smem:$0x3FA8] =	sst s7  }
0x10: {  	[smem:$0x3FA9] =	sst s8  }
0x11: {  	[smem:$0x3FAA] =	sst s9;
	s0 =	simm.s32 @!p0 $0x0  }
0x12: {  	s1 =	sld [smem:$0x3F90];
	s0 =	simm.s32 @p0 $0x1  }
0x13: {  	[smem:$0x3FAB] =	sst s0;
	s0 =	simm.s32 @!p1 $0x0  }
0x14: {  	s2 =	sld [smem:$0x3F8F];
	s0 =	simm.s32 @p1 $0x1  }
0x15: {  	[smem:$0x3FAC] =	sst s0;
	s0 =	simm.s32 @!p2 $0x0  }
0x16: {  	s3 =	sld [smem:$0x3FDB];
	s0 =	simm.s32 @p2 $0x1  }
0x17: {  	s4 =	simm.s32 $0x1BF5;
	[smem:$0x3FAE] =	sst s0  }
0x18: {  	s0 =	sld [smem:$0x3F91];
	_ =	swait.ge [sflag:s4], $0x0  }
0x19: {  	s7 =	sld [smem:$0x3F92]  }
0x1a: {  	s8 =	sadd.s32 $0xFFFFE003, lr  }
0x1b: {  	s9 =	sadd.s32 $0xFFFFFEF7, lr;
	s5 =	simm.s32 $0xFFFFFFFF;
	p2 =	slt.u32 s8, $0xFFFFF086  }
0x1c: {  	p1 =	slt.u32 s9, $0xF7A;
	s5 =	simm.s32 @!p2 $0x0  }
0x1d: {  	s5 =	simm.s32 @p1 $0x1;
	p0 =	seq.s32 s7, s2  }
0x1e: {  	s7 =	smul.u32 @!p0 $0xF7A, s2;
	p2 =	seq.s32 @!p0 s5, $0x0  }
0x1f: {  	s9 =	smul.u32 $0xF7A, s1;
	s8 =	simm.s32 @!p0 $0x1BF5;
	p2 =	por !p2, p0  }
0x20: {  	[sflag:s8] =	ssyncset.s32 @!p0 $0xFFFFF086;
	s6 =	sadd.s32 @!p0 s3, s7;
	s7 =	simm.s32 @!p0 $0x108  }
0x21: {  	s3 =	sadd.s32 s3, s9;
	s6 =	sadd.s32 @!p0 $0x88, s6;
	s7 =	simm.s32 @p2 $0x1082  }
0x22: {  	[simem:s7], [sflag:s8] =	dma.local @!p0 [hbm:s6], $0xF7A  }
0x23: {  	s9 =	sor.u32 $0xD0000000, s2;
	s6 =	simm.s32 $0x108;
	_ =	swait.ge @!p0 [sflag:s8], $0x0  }
0x24: {  	s3 =	sadd.s32 $0x88, s3;
	s6 =	simm.s32 @!p1 $0x1082;
	[sflag:s4] =	ssyncset.s32 $0xFFFFF086  }
0x25: {  	[simem:s6], [sflag:s4] =	dma.local [hbm:s3], $0xF7A  }
0x26: {  	[smem:$0x3F92] =	sst s1;
	(tag) =	ssettag s2;
	_ =	strace s9  }
0x27: {  	s1 =	sld [smem:$0x3FA2]  }
0x28: {  	s2 =	sld [smem:$0x3FA3]  }
0x29: {  	s4 =	sld [smem:$0x3FA5]  }
0x2a: {  	p0 =	seq.s32 s5, $0x0;
	s5 =	sld [smem:$0x3FA6]  }
0x2b: {  	s6 =	sld [smem:$0x3FA7]  }
0x2c: {  	s7 =	sld [smem:$0x3FA8]  }
0x2d: {  	s3 =	simm.s32 $0x108;
	s8 =	sld [smem:$0x3FA9]  }
0x2e: {  	s3 =	simm.s32 @!p0 $0x1082;
	s9 =	sld [smem:$0x3FAA]  }
0x2f: {  	lr =	sadd.s32 s0, s3;
	s0 =	sld [smem:$0x3FA1]  }
0x30: {  	s3 =	sld [smem:$0x3FA4]  }
0x31: {  	[smem:$0x3FAD] =	sst s10  }
0x32: {  	s10 =	sld [smem:$0x3FAB];
	_ =	sdelay $0x3  }
0x33: {  	p0 =	seq.s32 s10, $0x1;
	s10 =	sld [smem:$0x3FAD];
	_ =	sdelay $0x3  }
0x34: {  	[smem:$0x3FAD] =	sst s10  }
0x35: {  	s10 =	sld [smem:$0x3FAC];
	_ =	sdelay $0x3  }
0x36: {  	p1 =	seq.s32 s10, $0x1;
	s10 =	sld [smem:$0x3FAD];
	_ =	sdelay $0x3  }
0x37: {  	[smem:$0x3FAD] =	sst s10  }
0x38: {  	s10 =	sld [smem:$0x3FAE]  }
0x39: {  	_ = 	snop;
	(pc) =	sbr.ind lr, $3  }
0x3a: {  	_ = 	snop  }
0x3b: {  	_ = 	snop  }
0x3c: {  	p2 =	seq.s32 s10, $0x1;
	s10 =	sld [smem:$0x3FAD]  }
0x3d: {  	_ =	shalt  }
0x3e: {  	_ =	shalt  }
0x3f: {  	_ =	shalt  }
0x40: {  	_ =	shalt  }
0x41: {  	_ =	shalt  }
0x42: {  	_ =	shalt  }
0x43: {  	_ =	shalt  }
0x44: {  	_ =	shalt  }
0x45: {  	_ =	shalt  }
0x46: {  	_ =	shalt  }
0x47: {  	_ =	shalt  }
0x48: {  	_ =	shalt  }
0x49: {  	_ =	shalt  }
0x4a: {  	_ =	shalt  }
0x4b: {  	_ =	shalt  }
0x4c: {  	_ =	shalt  }
0x4d: {  	_ =	shalt  }
0x4e: {  	_ =	shalt  }
0x4f: {  	_ =	shalt  }
0x50: {  	_ =	shalt  }
0x51: {  	_ =	shalt  }
0x52: {  	_ =	shalt  }
0x53: {  	_ =	shalt  }
0x54: {  	_ =	shalt  }
0x55: {  	_ =	shalt  }
0x56: {  	_ =	shalt  }
0x57: {  	_ =	shalt  }
0x58: {  	_ =	shalt  }
0x59: {  	_ =	shalt  }
0x5a: {  	_ =	shalt  }
0x5b: {  	_ =	shalt  }
0x5c: {  	_ =	shalt  }
0x5d: {  	_ =	shalt  }
0x5e: {  	_ =	shalt  }
0x5f: {  	_ =	shalt  }
0x60: {  	_ =	shalt  }
0x61: {  	_ =	shalt  }
0x62: {  	_ =	shalt  }
0x63: {  	_ =	shalt  }
0x64: {  	_ =	shalt  }
0x65: {  	_ =	shalt  }
0x66: {  	_ =	shalt  }
0x67: {  	_ =	shalt  }
0x68: {  	_ =	shalt  }
0x69: {  	_ =	shalt  }
0x6a: {  	_ =	shalt  }
0x6b: {  	_ =	shalt  }
0x6c: {  	_ =	shalt  }
0x6d: {  	_ =	shalt  }
0x6e: {  	_ =	shalt  }
0x6f: {  	_ =	shalt  }
0x70: {  	_ =	shalt  }
0x71: {  	_ =	shalt  }
0x72: {  	_ =	shalt  }
0x73: {  	_ =	shalt  }
0x74: {  	_ =	shalt  }
0x75: {  	_ =	shalt  }
0x76: {  	_ =	shalt  }
0x77: {  	_ =	shalt  }
0x78: {  	_ =	shalt  }
0x79: {  	_ =	shalt  }
0x7a: {  	_ =	shalt  }
0x7b: {  	_ =	shalt  }
0x7c: {  	_ =	shalt  }
0x7d: {  	_ =	shalt  }
0x7e: {  	_ =	shalt  }
0x7f: {  	_ =	shalt  }
0x80: {  	_ =	shalt  }
0x81: {  	_ =	shalt  }
0x82: {  	_ =	shalt  }
0x83: {  	_ =	shalt  }
0x84: {  	_ =	shalt  }
0x85: {  	_ =	shalt  }
0x86: {  	_ =	shalt  }
0x87: {  	_ =	shalt  }
.Lfunc_end0:
.L_simem_size_0:
called_computation_lowered:
.L_overlay_start_0:
0x88: {  	s2 =	sld [smem:$0x3FD9]  }
0x89: {  	s3 =	sld [smem:$0x3FFE];
	_ =	sdelay $0x1  }
0x8a: {  	s1 =	srdreg.scid  }
0x8b: {  	s0 =	sand.u32 $0x1, s1  }
0x8c: {  	s17 =	sshll.u32 s0, $0xA;
	s2 =	sadd.s32 s3, s2  }
0x8d: {  	s2 =	sadd.s32 s2, s17  }
0x8e: {  	[smem:$0x3FB9] =	sst s2  }
0x8f: {  	_ = 	snop  }
0x90: {  	s2 =	sld [smem:$0x3FC9]  }
0x91: {  	s18 =	sld [smem:$0x3FC8]  }
0x92: {  	s4 =	sld [smem:$0x3FD0];
	(tm) =	ssettm $0x1  }
0x93: {  	s5 =	sld [smem:$0x3FFB];
	_ =	sdelay $0x3  }
0x94: {  	_ =	strace s5  }
0x95: {  	s5 =	sld [smem:$0x3FFC];
	_ =	sdelay $0x3  }
0x96: {  	_ =	strace s5  }
0x97: {  	s5 =	sld [smem:$0x3FFD];
	_ =	sdelay $0x3  }
0x98: {  	_ =	strace s5  }
0x99: {  	_ =	strace $0x8FFFFFFF  }
0x9a: {  	s19 =	sld [smem:$0x3FDB];
	_ =	sdelay $0x1  }
0x9b: {  	s6 =	simm.s32 $_scs_section_size  }
0x9c: {  	s7 =	simm.s32 $_size__tile_overlayer_lowered;
	s8 =	simm.s32 $_tile_overlayer_lowered  }
0x9d: {  	s22 =	simm.s32 $0x1BFF;
	s21 =	sshll.u32 s8, $0x1;
	s5 =	sadd.s32 s6, s19  }
0x9e: {  	s9 =	simm.s32 $0x0;
	s20 =	sshll.u32 s7, $0x1;
	s7 =	sadd.s32 s21, s5  }
0x9f: {  	[timem:s9], [sflag:s22] =	dma.local [hbm:s7], s20  }
0xa0: {  	_ =	swait.ge [sflag:s22], s20  }
0xa1: {  	s6 =	ssub.s32 $0x0, s20;
	[sflag:s22] =	ssyncset.done $0x0  }
0xa2: {  	[sflag:s22] =	ssyncadd.s32 s6;
	_ =	sdelay $0x1  }
0xa3: {  	s23 =	simm.s32 $0x1B8B  }
0xa4: {  	_ =	swait.ge [sflag:s23], $0x1  }
0xa5: {  	[sflag:s23] =	ssyncset.done $0x0  }
0xa6: {  	s25 =	simm.s32 $0x1B8E;
	s24 =	sld [smem:$0x3FFE];
	[sflag:s23] =	ssyncadd.s32 $0xFFFFFFFF  }
0xa7: {  	s26 =	simm.s32 $execute0_lowered;
	[smem:$0x3FD2] =	sst s25  }
0xa8: {  	s7 =	sshll.u32 s26, $0x1;
	_ =	strace $0x80000046;
	[dreg:$0x1] =	wrdreg $0xFFFFFFFF  }
0xa9: {  	s28 =	simm.s32 $_size_execute0_lowered;
	s5 =	sadd.s32 s5, s7;
	[dreg:$0x0] =	wrdreg $0x0  }
0xaa: {  	s7 =	sshll.u32 s28, $0x1;
	[dreg:$0x2] =	wrdreg s5  }
0xab: {  	[dreg:$0x3] =	wrdreg s7  }
0xac: {  	[dreg:$0x4] =	wrdreg $0xC0  }
0xad: {  	_ =	task [dreg:s9], $0x5FFFF  }
0xae: {  	[dreg:$0x1] =	wrdreg $0xFFFFFFFF  }
0xaf: {  	[dreg:$0x0] =	wrdreg $0x60  }
0xb0: {  	[dreg:$0x2] =	wrdreg s24  }
0xb1: {  	[dreg:$0x3] =	wrdreg s2  }
0xb2: {  	[dreg:$0x4] =	wrdreg s18  }
0xb3: {  	[dreg:$0x5] =	wrdreg s4  }
0xb4: {  	[dreg:$0x6] =	wrdreg $0x9  }
0xb5: {  	_ =	task.clear_ibuf [dreg:s9], $0x7FFFF;
	_ =	strace $0x90000046  }
0xb6: {  	s29 =	simm.s32 $0x9;
	_ =	strace $0x80000048  }
0xb7: {  	_ =	swait.ge [sflag:s29], $0x1  }
0xb8: {  	[sflag:s29] =	ssyncadd.s32 $0xFFFFFFFF  }
0xb9: {  	_ =	strace $0x90000048  }
0xba: {  	_ =	sfence  }
0xbb: {  	s30 =	sld [smem:$0x0];
	_ =	sdelay $0x2  }
0xbc: {  	s31 =	sshll.u32 s1, $0xD;
	s1 =	sshrl.u32 s1, $0x2  }
0xbd: {  	s3 =	sand.u32 $0x4000, s31;
	s1 =	sadd.s32 s1, s30  }
0xbe: {  	s0 =	sor.u32 s3, s0;
	s1 =	sshll.u32 s1, $0x11  }
0xbf: {  	s0 =	sor.u32 s1, s0  }
0xc0: {  	s0 =	sadd.s32 $0x8F2B, s0  }
0xc1: {  	[sflag:s0] =	ssyncadd.remote.s32 $0x1  }
0xc2: {  	_ =	sfence.sel $0xFFFF  }
0xc3: {  	[dreg:$0x0] =	wrdreg $0xFFFFFFFF;
	(pc) =	sbr.abs _section_cstart, $3  }
0xc4: {  	[dreg:$0x1] =	wrdreg $0xFFFFFFFF  }
0xc5: {  	_ =	task.clear_ibuf [dreg:s9], $0x2FFFF;
	_ =	strace $0x9FFFFFFF  }
0xc6: {  	(tm) =	ssettm $0x7FFFFFFF  }
0xc7: {  	_ =	shalt  }
tec
execute0_lowered:
.L_overlay_start_1:
0x0: {  	(tag) =	ssettag $0x1  }
0x1: {  	s0 =	rddreg [dreg:$0x0]  }
0x2: {  	s1 =	rddreg [dreg:$0x1]  }
0x3: {  	s3 =	rddreg [dreg:$0x2]  }
0x4: {  	s2 =	rddreg [dreg:$0x3];
	s4 =	srdreg.scid  }
0x5: {  	s5 =	stileid.u32;
	s30 =	simm.s32 $0x400;
	s31 =	simm.s32 $0x600  }
0x6: {  	s10 =	simm.s32 $0x1;
	s23 =	simm.s32 $0x800;
	s24 =	simm.s32 $0xA00  }
0x7: {  	s25 =	simm.s32 $0xC00;
	s26 =	simm.s32 $0xDE00;
	s28 =	simm.s32 $0xE00  }
0x8: {  	s29 =	simm.s32 $0xFE00;
	s11 =	simm.s32 $0x3;
	p0 =	por $0x0, $0x0  }
0x9: {  	[dreg:$0x5] =	wrdreg s2;
	s4 =	sand.u32 $0x1, s4;
	s5 =	sshll.u32 s5, $0x1  }
0xa: {  	s2 =	simm.s32 $0x0;
	s7 =	sadd.s32 $0x1F1E00, s0;
	s5 =	sor.u32 s4, s5  }
0xb: {  	s9 =	sadd.s32 $0x1F2000, s0;
	[smem:$0x7FF] =	sst s2;
	s6 =	smul.u32 $0x380, s5  }
0xc: {  	s4 =	ssub.s32 $0x2, s4;
	_ =	strace $0x80000047;
	s8 =	smul.u32 $0x1C000, s5  }
0xd: {  	[dreg:$0x6] =	wrdreg s7;
	s12 =	smul.u32 $0x3800, s5;
	s7 =	sadd.s32 $0x2800, s0  }
0xe: {  	s15 =	sshll.u32 s5, $0xA;
	s5 =	sshll.u32 s5, $0x6;
	s19 =	sshrl.u32 s4, $0x1  }
0xf: {  	s1 =	sadd.s32 s1, s5;
	s20 =	sadd.s32 s3, s5;
	s21 =	ssub.s32 s4, s19  }
0x10: {  	s3 =	simm.s32 $0x5;
	s4 =	simm.s32 $0x200;
	s5 =	simm.s32 $0x9E00  }
0x11: {  	s19 =	simm.s32 $0x1000;
	s6 =	sadd.s32 s6, s0;
	s8 =	sshrl.u32 s8, $0x3  }
0x12: {  	s13 =	sadd.s32 s9, s12;
	s0 =	sadd.s32 s15, s0;
	[dreg:$0xc] =	wrdreg s1  }
0x13: {  	[dreg:$0xe] =	wrdreg s20;
	s22 =	smax.u32 s21, $0x1;
	s15 =	simm.s32 $0x5E00  }
0x14: {  	s20 =	simm.s32 $0x1200;
	s21 =	simm.s32 $0x1400;
	s12 =	simm.s32 $0x1C00  }
0x15: {  	s6 =	sadd.s32 $0x1EAE00, s6;
	s8 =	sadd.s32 s9, s8;
	[dreg:$0x8] =	wrdreg s13  }
0x16: {  	s18 =	sadd.s32 $0x26A000, s0;
	s0 =	sadd.s32 $0x262000, s0;
	s13 =	simm.s32 $0xBE00  }
0x17: {  	p1 =	sne.s32 s22, $0x1;
	s9 =	simm.s32 $0x4;
	[dreg:$0x7] =	wrdreg s6  }
0x18: {  	s14 =	sadd.s32 $0x1000, s8;
	s16 =	sadd.s32 $0x2000, s8;
	[dreg:$0xd] =	wrdreg s18  }
.Ltmp0:
0x19: {  	s17 =	sadd.s32 $0x3000, s8;
	[dreg:$0xf] =	wrdreg s0;
	(pc) =	sbr.rel @!p1 .LBB2_3-.Ltmp0, $4  }
0x1a: {  	s6 =	simm.s32 $0x1E00;
	s8 =	simm.s32 $0x2;
	[dreg:$0x9] =	wrdreg s14  }
0x1b: {  	s0 =	sadd.s32 $0xFFFFFFFF, s22;
	s22 =	simm.s32 $0x1600;
	[dreg:$0xa] =	wrdreg s16  }
0x1c: {  	s18 =	simm.s32 $0x1A00;
	[dreg:$0xb] =	wrdreg s17;
	s14 =	simm.s32 $0x3E00  }
0x1d: {  	s16 =	simm.s32 $0x7E00;
	s17 =	simm.s32 $0x1800;
	s1 =	rddreg [dreg:$0x7]  }
0x1e: {  	[tilespmem:s2], [sflag:$0x5] =	stream.linear.gather [hbm4b:s1+s2], $0x1C00, $0x38;
	[tilespmem:$0x11E00] =	vst v63  }
0x1f: {  	_ =	swait.ge [sflag:s3], $0x1C00  }
0x20: {  	[sflag:s3] =	ssyncset.done $0x0  }
0x21: {  	[sflag:s3] =	ssyncadd.s32 $0xFFFFE400  }
0x22: {  	[tilespmem:s6], [sflag:$0x1] =	stream.indirect.gather [hbm4b:s7+s4], $0x10, s2, s4, $0xb8;
	[tilespmem:$0x11E00] =	vst v63  }
0x23: {  	_ = 	snop  }
0x24: {  	[tilespmem:s14], [sflag:$0x1] =	stream.indirect.gather [hbm4b:s7+s4], $0x10, s4, s4, $0xb8;
	[tilespmem:$0x11E00] =	vst v63  }
0x25: {  	_ = 	snop  }
0x26: {  	[tilespmem:s15], [sflag:$0x1] =	stream.indirect.gather [hbm4b:s7+s4], $0x10, s30, s4, $0xb8;
	[tilespmem:$0x11E00] =	vst v63  }
0x27: {  	_ = 	snop  }
0x28: {  	[tilespmem:s16], [sflag:$0x1] =	stream.indirect.gather [hbm4b:s7+s4], $0x10, s31, s4, $0xb8;
	[tilespmem:$0x11E00] =	vst v63  }
0x29: {  	_ =	swait.ge [sflag:s10], $0x2000  }
0x2a: {  	[sflag:s10] =	ssyncset.done $0x0  }
0x2b: {  	[sflag:s10] =	ssyncadd.s32 $0xFFFFE000  }
0x2c: {  	_ =	swait.ge [sflag:s10], $0x2000  }
0x2d: {  	[sflag:s10] =	ssyncset.done $0x0  }
0x2e: {  	[sflag:s10] =	ssyncadd.s32 $0xFFFFE000  }
0x2f: {  	_ =	swait.ge [sflag:s10], $0x2000  }
0x30: {  	[sflag:s10] =	ssyncset.done $0x0  }
0x31: {  	[sflag:s10] =	ssyncadd.s32 $0xFFFFE000  }
0x32: {  	_ =	swait.ge [sflag:s10], $0x2000  }
0x33: {  	[sflag:s10] =	ssyncset.done $0x0  }
0x34: {  	s1 =	rddreg [dreg:$0x8];
	[sflag:s10] =	ssyncadd.s32 $0xFFFFE000  }
0x35: {  	[hbm4b:s1+s2] =	stream.linear.scatter [tilespmem:s6], [sflag:$0x3], $0x8000, $0x38;
	[tilespmem:$0x11E00] =	vst v63  }
0x36: {  	_ = 	snop  }
0x37: {  	[tilespmem:s5], [sflag:$0x2] =	stream.indirect.gather [hbm4b:s7+s4], $0x10, s23, s4, $0xb8;
	[tilespmem:$0x11E00] =	vst v63  }
0x38: {  	_ = 	snop  }
0x39: {  	[tilespmem:s13], [sflag:$0x2] =	stream.indirect.gather [hbm4b:s7+s4], $0x10, s24, s4, $0xb8;
	[tilespmem:$0x11E00] =	vst v63  }
0x3a: {  	_ = 	snop  }
0x3b: {  	[tilespmem:s26], [sflag:$0x2] =	stream.indirect.gather [hbm4b:s7+s4], $0x10, s25, s4, $0xb8;
	[tilespmem:$0x11E00] =	vst v63  }
0x3c: {  	_ = 	snop  }
0x3d: {  	[tilespmem:s29], [sflag:$0x2] =	stream.indirect.gather [hbm4b:s7+s4], $0x10, s28, s4, $0xb8;
	[tilespmem:$0x11E00] =	vst v63  }
0x3e: {  	_ =	swait.ge [sflag:s8], $0x2000  }
0x3f: {  	[sflag:s8] =	ssyncset.done $0x0  }
0x40: {  	[sflag:s8] =	ssyncadd.s32 $0xFFFFE000  }
0x41: {  	_ =	swait.ge [sflag:s8], $0x2000  }
0x42: {  	[sflag:s8] =	ssyncset.done $0x0  }
0x43: {  	[sflag:s8] =	ssyncadd.s32 $0xFFFFE000  }
0x44: {  	_ =	swait.ge [sflag:s8], $0x2000  }
0x45: {  	[sflag:s8] =	ssyncset.done $0x0  }
0x46: {  	[sflag:s8] =	ssyncadd.s32 $0xFFFFE000  }
0x47: {  	_ =	swait.ge [sflag:s8], $0x2000  }
0x48: {  	[sflag:s8] =	ssyncset.done $0x0  }
0x49: {  	s1 =	rddreg [dreg:$0x9];
	[sflag:s8] =	ssyncadd.s32 $0xFFFFE000  }
0x4a: {  	[hbm4b:s1+s2] =	stream.linear.scatter [tilespmem:s5], [sflag:$0x4], $0x8000, $0x38;
	[tilespmem:$0x11E00] =	vst v63  }
0x4b: {  	_ =	swait.ge [sflag:s11], $0x8000  }
0x4c: {  	[sflag:s11] =	ssyncset.done $0x0  }
0x4d: {  	[sflag:s11] =	ssyncadd.s32 $0xFFFF8000  }
0x4e: {  	[tilespmem:s6], [sflag:$0x1] =	stream.indirect.gather [hbm4b:s7+s4], $0x10, s19, s4, $0xb8;
	[tilespmem:$0x11E00] =	vst v63  }
0x4f: {  	_ = 	snop  }
0x50: {  	[tilespmem:s14], [sflag:$0x1] =	stream.indirect.gather [hbm4b:s7+s4], $0x10, s20, s4, $0xb8;
	[tilespmem:$0x11E00] =	vst v63  }
0x51: {  	_ = 	snop  }
0x52: {  	[tilespmem:s15], [sflag:$0x1] =	stream.indirect.gather [hbm4b:s7+s4], $0x10, s21, s4, $0xb8;
	[tilespmem:$0x11E00] =	vst v63  }
0x53: {  	_ = 	snop  }
0x54: {  	[tilespmem:s16], [sflag:$0x1] =	stream.indirect.gather [hbm4b:s7+s4], $0x10, s22, s4, $0xb8;
	[tilespmem:$0x11E00] =	vst v63  }
0x55: {  	_ =	swait.ge [sflag:s10], $0x2000  }
0x56: {  	[sflag:s10] =	ssyncset.done $0x0  }
0x57: {  	[sflag:s10] =	ssyncadd.s32 $0xFFFFE000  }
0x58: {  	_ =	swait.ge [sflag:s10], $0x2000  }
0x59: {  	[sflag:s10] =	ssyncset.done $0x0  }
0x5a: {  	[sflag:s10] =	ssyncadd.s32 $0xFFFFE000  }
0x5b: {  	_ =	swait.ge [sflag:s10], $0x2000  }
0x5c: {  	[sflag:s10] =	ssyncset.done $0x0  }
0x5d: {  	[sflag:s10] =	ssyncadd.s32 $0xFFFFE000  }
0x5e: {  	_ =	swait.ge [sflag:s10], $0x2000  }
0x5f: {  	[sflag:s10] =	ssyncset.done $0x0  }
0x60: {  	s1 =	rddreg [dreg:$0xa];
	[sflag:s10] =	ssyncadd.s32 $0xFFFFE000  }
0x61: {  	[hbm4b:s1+s2] =	stream.linear.scatter [tilespmem:s6], [sflag:$0x3], $0x8000, $0x38;
	[tilespmem:$0x11E00] =	vst v63  }
0x62: {  	_ =	swait.ge [sflag:s9], $0x8000  }
0x63: {  	[sflag:s9] =	ssyncset.done $0x0  }
0x64: {  	[sflag:s9] =	ssyncadd.s32 $0xFFFF8000  }
0x65: {  	[tilespmem:s5], [sflag:$0x2] =	stream.indirect.gather [hbm4b:s7+s4], $0x10, s17, s4, $0xb8;
	[tilespmem:$0x11E00] =	vst v63  }
0x66: {  	_ = 	snop  }
0x67: {  	[tilespmem:s13], [sflag:$0x2] =	stream.indirect.gather [hbm4b:s7+s4], $0x10, s18, s4, $0xb8;
	[tilespmem:$0x11E00] =	vst v63  }
0x68: {  	_ =	swait.ge [sflag:s8], $0x2000  }
0x69: {  	[sflag:s8] =	ssyncset.done $0x0  }
0x6a: {  	[sflag:s8] =	ssyncadd.s32 $0xFFFFE000  }
0x6b: {  	_ =	swait.ge [sflag:s8], $0x2000  }
0x6c: {  	[sflag:s8] =	ssyncset.done $0x0  }
0x6d: {  	s1 =	rddreg [dreg:$0xb];
	[sflag:s8] =	ssyncadd.s32 $0xFFFFE000  }
0x6e: {  	[hbm4b:s1+s2] =	stream.linear.scatter [tilespmem:s5], [sflag:$0x4], $0x4000, $0x38;
	[tilespmem:$0x11E00] =	vst v63  }
0x6f: {  	_ =	swait.ge [sflag:s11], $0x8000  }
0x70: {  	[sflag:s11] =	ssyncset.done $0x0  }
0x71: {  	[sflag:s11] =	ssyncadd.s32 $0xFFFF8000  }
0x72: {  	_ =	swait.ge [sflag:s9], $0x4000  }
0x73: {  	[sflag:s9] =	ssyncset.done $0x0  }
0x74: {  	s1 =	rddreg [dreg:$0xc];
	[sflag:s9] =	ssyncadd.s32 $0xFFFFC000  }
0x75: {  	[tilespmem:s12], [sflag:$0x5] =	stream.linear.gather [hbm4b:s1+s2], $0x200, $0x38;
	[tilespmem:$0x11E00] =	vst v63  }
0x76: {  	_ =	swait.ge [sflag:s3], $0x200  }
0x77: {  	[sflag:s3] =	ssyncset.done $0x0  }
0x78: {  	s1 =	rddreg [dreg:$0x5];
	[sflag:s3] =	ssyncadd.s32 $0xFFFFFE00  }
0x79: {  	[tilespmem:s6], [sflag:$0x1] =	stream.indirect.gather [hbm4b:s1+s4], $0x10, s12, s4, $0xb8;
	[tilespmem:$0x11E00] =	vst v63  }
0x7a: {  	_ =	swait.ge [sflag:s10], $0x2000  }
0x7b: {  	[sflag:s10] =	ssyncset.done $0x0  }
0x7c: {  	s1 =	rddreg [dreg:$0xd];
	[sflag:s10] =	ssyncadd.s32 $0xFFFFE000  }
0x7d: {  	[hbm4b:s1+s2] =	stream.linear.scatter [tilespmem:s6], [sflag:$0x3], $0x2000, $0x38;
	[tilespmem:$0x11E00] =	vst v63  }
0x7e: {  	_ =	swait.ge [sflag:s11], $0x2000  }
0x7f: {  	[sflag:s11] =	ssyncset.done $0x0  }
0x80: {  	s1 =	rddreg [dreg:$0xe];
	[sflag:s11] =	ssyncadd.s32 $0xFFFFE000  }
0x81: {  	[tilespmem:s12], [sflag:$0x5] =	stream.linear.gather [hbm4b:s1+s2], $0x200, $0x38;
	[tilespmem:$0x11E00] =	vst v63  }
0x82: {  	_ =	swait.ge [sflag:s3], $0x200  }
0x83: {  	[sflag:s3] =	ssyncset.done $0x0  }
0x84: {  	s1 =	rddreg [dreg:$0x6];
	[sflag:s3] =	ssyncadd.s32 $0xFFFFFE00  }
0x85: {  	[tilespmem:s5], [sflag:$0x2] =	stream.indirect.gather [hbm4b:s1+s4], $0x10, s12, s4, $0xb8;
	[tilespmem:$0x11E00] =	vst v63  }
0x86: {  	p1 =	sne.s32 s0, $0x1;
	_ =	swait.ge [sflag:s8], $0x2000  }
.Ltmp1:
0x87: {  	[sflag:s8] =	ssyncset.done $0x0;
	(pc) =	sbr.rel @!p1 .LBB2_3-.Ltmp1, $4  }
0x88: {  	s1 =	rddreg [dreg:$0xf];
	[sflag:s8] =	ssyncadd.s32 $0xFFFFE000  }
0x89: {  	[hbm4b:s1+s2] =	stream.linear.scatter [tilespmem:s5], [sflag:$0x4], $0x2000, $0x38;
	[tilespmem:$0x11E00] =	vst v63  }
0x8a: {  	s0 =	sadd.s32 $0xFFFFFFFF, s0;
	_ =	swait.ge [sflag:s9], $0x2000  }
0x8b: {  	p0 =	por $0x1, $0x1;
	s1 =	rddreg [dreg:$0x7];
	[sflag:s9] =	ssyncset.done $0x0  }
.LBB2_2:
0x8c: {  	[sflag:s9] =	ssyncadd.s32 $0xFFFFE000  }
0x8d: {  	[tilespmem:s2], [sflag:$0x5] =	stream.linear.gather [hbm4b:s1+s2], $0x1C00, $0x38;
	[tilespmem:$0x11E00] =	vst v63  }
0x8e: {  	_ =	swait.ge [sflag:s3], $0x1C00  }
0x8f: {  	[sflag:s3] =	ssyncset.done $0x0  }
0x90: {  	[sflag:s3] =	ssyncadd.s32 $0xFFFFE400  }
0x91: {  	[tilespmem:s6], [sflag:$0x1] =	stream.indirect.gather [hbm4b:s7+s4], $0x10, s2, s4, $0xb8;
	[tilespmem:$0x11E00] =	vst v63  }
0x92: {  	_ = 	snop  }
0x93: {  	[tilespmem:s14], [sflag:$0x1] =	stream.indirect.gather [hbm4b:s7+s4], $0x10, s4, s4, $0xb8;
	[tilespmem:$0x11E00] =	vst v63  }
0x94: {  	_ = 	snop  }
0x95: {  	[tilespmem:s15], [sflag:$0x1] =	stream.indirect.gather [hbm4b:s7+s4], $0x10, s30, s4, $0xb8;
	[tilespmem:$0x11E00] =	vst v63  }
0x96: {  	_ = 	snop  }
0x97: {  	[tilespmem:s16], [sflag:$0x1] =	stream.indirect.gather [hbm4b:s7+s4], $0x10, s31, s4, $0xb8;
	[tilespmem:$0x11E00] =	vst v63  }
0x98: {  	_ =	swait.ge [sflag:s10], $0x2000  }
0x99: {  	[sflag:s10] =	ssyncset.done $0x0  }
0x9a: {  	[sflag:s10] =	ssyncadd.s32 $0xFFFFE000  }
0x9b: {  	_ =	swait.ge [sflag:s10], $0x2000  }
0x9c: {  	[sflag:s10] =	ssyncset.done $0x0  }
0x9d: {  	[sflag:s10] =	ssyncadd.s32 $0xFFFFE000  }
0x9e: {  	_ =	swait.ge [sflag:s10], $0x2000  }
0x9f: {  	[sflag:s10] =	ssyncset.done $0x0  }
0xa0: {  	[sflag:s10] =	ssyncadd.s32 $0xFFFFE000  }
0xa1: {  	_ =	swait.ge [sflag:s10], $0x2000  }
0xa2: {  	[sflag:s10] =	ssyncset.done $0x0  }
0xa3: {  	s1 =	rddreg [dreg:$0x8];
	[sflag:s10] =	ssyncadd.s32 $0xFFFFE000  }
0xa4: {  	[hbm4b:s1+s2] =	stream.linear.scatter [tilespmem:s6], [sflag:$0x3], $0x8000, $0x38;
	[tilespmem:$0x11E00] =	vst v63  }
0xa5: {  	_ = 	snop  }
0xa6: {  	[tilespmem:s5], [sflag:$0x2] =	stream.indirect.gather [hbm4b:s7+s4], $0x10, s23, s4, $0xb8;
	[tilespmem:$0x11E00] =	vst v63  }
0xa7: {  	_ = 	snop  }
0xa8: {  	[tilespmem:s13], [sflag:$0x2] =	stream.indirect.gather [hbm4b:s7+s4], $0x10, s24, s4, $0xb8;
	[tilespmem:$0x11E00] =	vst v63  }
0xa9: {  	_ = 	snop  }
0xaa: {  	[tilespmem:s26], [sflag:$0x2] =	stream.indirect.gather [hbm4b:s7+s4], $0x10, s25, s4, $0xb8;
	[tilespmem:$0x11E00] =	vst v63  }
0xab: {  	_ = 	snop  }
0xac: {  	[tilespmem:s29], [sflag:$0x2] =	stream.indirect.gather [hbm4b:s7+s4], $0x10, s28, s4, $0xb8;
	[tilespmem:$0x11E00] =	vst v63  }
0xad: {  	_ =	swait.ge [sflag:s8], $0x2000  }
0xae: {  	[sflag:s8] =	ssyncset.done $0x0  }
0xaf: {  	[sflag:s8] =	ssyncadd.s32 $0xFFFFE000  }
0xb0: {  	_ =	swait.ge [sflag:s8], $0x2000  }
0xb1: {  	[sflag:s8] =	ssyncset.done $0x0  }
0xb2: {  	[sflag:s8] =	ssyncadd.s32 $0xFFFFE000  }
0xb3: {  	_ =	swait.ge [sflag:s8], $0x2000  }
0xb4: {  	[sflag:s8] =	ssyncset.done $0x0  }
0xb5: {  	[sflag:s8] =	ssyncadd.s32 $0xFFFFE000  }
0xb6: {  	_ =	swait.ge [sflag:s8], $0x2000  }
0xb7: {  	[sflag:s8] =	ssyncset.done $0x0  }
0xb8: {  	s1 =	rddreg [dreg:$0x9];
	[sflag:s8] =	ssyncadd.s32 $0xFFFFE000  }
0xb9: {  	[hbm4b:s1+s2] =	stream.linear.scatter [tilespmem:s5], [sflag:$0x4], $0x8000, $0x38;
	[tilespmem:$0x11E00] =	vst v63  }
0xba: {  	_ =	swait.ge [sflag:s11], $0x8000  }
0xbb: {  	[sflag:s11] =	ssyncset.done $0x0  }
0xbc: {  	[sflag:s11] =	ssyncadd.s32 $0xFFFF8000  }
0xbd: {  	[tilespmem:s6], [sflag:$0x1] =	stream.indirect.gather [hbm4b:s7+s4], $0x10, s19, s4, $0xb8;
	[tilespmem:$0x11E00] =	vst v63  }
0xbe: {  	_ = 	snop  }
0xbf: {  	[tilespmem:s14], [sflag:$0x1] =	stream.indirect.gather [hbm4b:s7+s4], $0x10, s20, s4, $0xb8;
	[tilespmem:$0x11E00] =	vst v63  }
0xc0: {  	_ = 	snop  }
0xc1: {  	[tilespmem:s15], [sflag:$0x1] =	stream.indirect.gather [hbm4b:s7+s4], $0x10, s21, s4, $0xb8;
	[tilespmem:$0x11E00] =	vst v63  }
0xc2: {  	_ = 	snop  }
0xc3: {  	[tilespmem:s16], [sflag:$0x1] =	stream.indirect.gather [hbm4b:s7+s4], $0x10, s22, s4, $0xb8;
	[tilespmem:$0x11E00] =	vst v63  }
0xc4: {  	_ =	swait.ge [sflag:s10], $0x2000  }
0xc5: {  	[sflag:s10] =	ssyncset.done $0x0  }
0xc6: {  	[sflag:s10] =	ssyncadd.s32 $0xFFFFE000  }
0xc7: {  	_ =	swait.ge [sflag:s10], $0x2000  }
0xc8: {  	[sflag:s10] =	ssyncset.done $0x0  }
0xc9: {  	[sflag:s10] =	ssyncadd.s32 $0xFFFFE000  }
0xca: {  	_ =	swait.ge [sflag:s10], $0x2000  }
0xcb: {  	[sflag:s10] =	ssyncset.done $0x0  }
0xcc: {  	[sflag:s10] =	ssyncadd.s32 $0xFFFFE000  }
0xcd: {  	_ =	swait.ge [sflag:s10], $0x2000  }
0xce: {  	[sflag:s10] =	ssyncset.done $0x0  }
0xcf: {  	s1 =	rddreg [dreg:$0xa];
	[sflag:s10] =	ssyncadd.s32 $0xFFFFE000  }
0xd0: {  	[hbm4b:s1+s2] =	stream.linear.scatter [tilespmem:s6], [sflag:$0x3], $0x8000, $0x38;
	[tilespmem:$0x11E00] =	vst v63  }
0xd1: {  	_ =	swait.ge [sflag:s9], $0x8000  }
0xd2: {  	[sflag:s9] =	ssyncset.done $0x0  }
0xd3: {  	[sflag:s9] =	ssyncadd.s32 $0xFFFF8000  }
0xd4: {  	[tilespmem:s5], [sflag:$0x2] =	stream.indirect.gather [hbm4b:s7+s4], $0x10, s17, s4, $0xb8;
	[tilespmem:$0x11E00] =	vst v63  }
0xd5: {  	_ = 	snop  }
0xd6: {  	[tilespmem:s13], [sflag:$0x2] =	stream.indirect.gather [hbm4b:s7+s4], $0x10, s18, s4, $0xb8;
	[tilespmem:$0x11E00] =	vst v63  }
0xd7: {  	_ =	swait.ge [sflag:s8], $0x2000  }
0xd8: {  	[sflag:s8] =	ssyncset.done $0x0  }
0xd9: {  	[sflag:s8] =	ssyncadd.s32 $0xFFFFE000  }
0xda: {  	_ =	swait.ge [sflag:s8], $0x2000  }
0xdb: {  	[sflag:s8] =	ssyncset.done $0x0  }
0xdc: {  	s1 =	rddreg [dreg:$0xb];
	[sflag:s8] =	ssyncadd.s32 $0xFFFFE000  }
0xdd: {  	[hbm4b:s1+s2] =	stream.linear.scatter [tilespmem:s5], [sflag:$0x4], $0x4000, $0x38;
	[tilespmem:$0x11E00] =	vst v63  }
0xde: {  	_ =	swait.ge [sflag:s11], $0x8000  }
0xdf: {  	[sflag:s11] =	ssyncset.done $0x0  }
0xe0: {  	[sflag:s11] =	ssyncadd.s32 $0xFFFF8000  }
0xe1: {  	_ =	swait.ge [sflag:s9], $0x4000  }
0xe2: {  	[sflag:s9] =	ssyncset.done $0x0  }
0xe3: {  	s1 =	rddreg [dreg:$0xc];
	[sflag:s9] =	ssyncadd.s32 $0xFFFFC000  }
0xe4: {  	[tilespmem:s12], [sflag:$0x5] =	stream.linear.gather [hbm4b:s1+s2], $0x200, $0x38;
	[tilespmem:$0x11E00] =	vst v63  }
0xe5: {  	_ =	swait.ge [sflag:s3], $0x200  }
0xe6: {  	[sflag:s3] =	ssyncset.done $0x0  }
0xe7: {  	s1 =	rddreg [dreg:$0x5];
	[sflag:s3] =	ssyncadd.s32 $0xFFFFFE00  }
0xe8: {  	[tilespmem:s6], [sflag:$0x1] =	stream.indirect.gather [hbm4b:s1+s4], $0x10, s12, s4, $0xb8;
	[tilespmem:$0x11E00] =	vst v63  }
0xe9: {  	_ =	swait.ge [sflag:s10], $0x2000  }
0xea: {  	[sflag:s10] =	ssyncset.done $0x0  }
0xeb: {  	s1 =	rddreg [dreg:$0xd];
	[sflag:s10] =	ssyncadd.s32 $0xFFFFE000  }
0xec: {  	[hbm4b:s1+s2] =	stream.linear.scatter [tilespmem:s6], [sflag:$0x3], $0x2000, $0x38;
	[tilespmem:$0x11E00] =	vst v63  }
0xed: {  	_ =	swait.ge [sflag:s11], $0x2000  }
0xee: {  	[sflag:s11] =	ssyncset.done $0x0  }
0xef: {  	s1 =	rddreg [dreg:$0xe];
	[sflag:s11] =	ssyncadd.s32 $0xFFFFE000  }
0xf0: {  	[tilespmem:s12], [sflag:$0x5] =	stream.linear.gather [hbm4b:s1+s2], $0x200, $0x38;
	[tilespmem:$0x11E00] =	vst v63  }
0xf1: {  	_ =	swait.ge [sflag:s3], $0x200  }
0xf2: {  	[sflag:s3] =	ssyncset.done $0x0  }
0xf3: {  	s1 =	rddreg [dreg:$0x6];
	[sflag:s3] =	ssyncadd.s32 $0xFFFFFE00  }
0xf4: {  	[tilespmem:s5], [sflag:$0x2] =	stream.indirect.gather [hbm4b:s1+s4], $0x10, s12, s4, $0xb8;
	[tilespmem:$0x11E00] =	vst v63  }
0xf5: {  	p1 =	sne.s32 s0, $0x1;
	_ =	swait.ge [sflag:s8], $0x2000  }
.Ltmp2:
0xf6: {  	[sflag:s8] =	ssyncset.done $0x0;
	(pc) =	sbr.rel @p1 .LBB2_2-.Ltmp2, $4  }
0xf7: {  	s1 =	rddreg [dreg:$0xf];
	[sflag:s8] =	ssyncadd.s32 $0xFFFFE000  }
0xf8: {  	[hbm4b:s1+s2] =	stream.linear.scatter [tilespmem:s5], [sflag:$0x4], $0x2000, $0x38;
	[tilespmem:$0x11E00] =	vst v63  }
0xf9: {  	_ =	swait.ge [sflag:s9], $0x2000  }
0xfa: {  	s0 =	sadd.s32 $0xFFFFFFFF, s0;
	s1 =	rddreg [dreg:$0x7];
	[sflag:s9] =	ssyncset.done $0x0  }
.LBB2_3:
0xfb: {  	[sflag:s9] =	ssyncadd.s32 @p0 $0xFFFFE000  }
0xfc: {  	[tilespmem:s2], [sflag:$0x5] =	stream.linear.gather [hbm4b:s1+s2], $0x1C00, $0x38;
	[tilespmem:$0x11E00] =	vst v63  }
0xfd: {  	_ =	swait.ge [sflag:s3], $0x1C00  }
0xfe: {  	[sflag:s3] =	ssyncset.done $0x0  }
0xff: {  	[sflag:s3] =	ssyncadd.s32 $0xFFFFE400  }
0x100: {  	[tilespmem:s6], [sflag:$0x1] =	stream.indirect.gather [hbm4b:s7+s4], $0x10, s2, s4, $0xb8;
	[tilespmem:$0x11E00] =	vst v63  }
0x101: {  	_ = 	snop  }
0x102: {  	[tilespmem:s14], [sflag:$0x1] =	stream.indirect.gather [hbm4b:s7+s4], $0x10, s4, s4, $0xb8;
	[tilespmem:$0x11E00] =	vst v63  }
0x103: {  	_ = 	snop  }
0x104: {  	[tilespmem:s15], [sflag:$0x1] =	stream.indirect.gather [hbm4b:s7+s4], $0x10, s30, s4, $0xb8;
	[tilespmem:$0x11E00] =	vst v63  }
0x105: {  	_ = 	snop  }
0x106: {  	[tilespmem:s16], [sflag:$0x1] =	stream.indirect.gather [hbm4b:s7+s4], $0x10, s31, s4, $0xb8;
	[tilespmem:$0x11E00] =	vst v63  }
0x107: {  	_ =	swait.ge [sflag:s10], $0x2000  }
0x108: {  	[sflag:s10] =	ssyncset.done $0x0  }
0x109: {  	[sflag:s10] =	ssyncadd.s32 $0xFFFFE000  }
0x10a: {  	_ =	swait.ge [sflag:s10], $0x2000  }
0x10b: {  	[sflag:s10] =	ssyncset.done $0x0  }
0x10c: {  	[sflag:s10] =	ssyncadd.s32 $0xFFFFE000  }
0x10d: {  	_ =	swait.ge [sflag:s10], $0x2000  }
0x10e: {  	[sflag:s10] =	ssyncset.done $0x0  }
0x10f: {  	[sflag:s10] =	ssyncadd.s32 $0xFFFFE000  }
0x110: {  	_ =	swait.ge [sflag:s10], $0x2000  }
0x111: {  	[sflag:s10] =	ssyncset.done $0x0  }
0x112: {  	s0 =	rddreg [dreg:$0x8];
	[sflag:s10] =	ssyncadd.s32 $0xFFFFE000  }
0x113: {  	[hbm4b:s0+s2] =	stream.linear.scatter [tilespmem:s6], [sflag:$0x3], $0x8000, $0x38;
	[tilespmem:$0x11E00] =	vst v63  }
0x114: {  	_ = 	snop  }
0x115: {  	[tilespmem:s5], [sflag:$0x2] =	stream.indirect.gather [hbm4b:s7+s4], $0x10, s23, s4, $0xb8;
	[tilespmem:$0x11E00] =	vst v63  }
0x116: {  	_ = 	snop  }
0x117: {  	[tilespmem:s13], [sflag:$0x2] =	stream.indirect.gather [hbm4b:s7+s4], $0x10, s24, s4, $0xb8;
	[tilespmem:$0x11E00] =	vst v63  }
0x118: {  	_ = 	snop  }
0x119: {  	[tilespmem:s26], [sflag:$0x2] =	stream.indirect.gather [hbm4b:s7+s4], $0x10, s25, s4, $0xb8;
	[tilespmem:$0x11E00] =	vst v63  }
0x11a: {  	_ = 	snop  }
0x11b: {  	[tilespmem:s29], [sflag:$0x2] =	stream.indirect.gather [hbm4b:s7+s4], $0x10, s28, s4, $0xb8;
	[tilespmem:$0x11E00] =	vst v63  }
0x11c: {  	_ =	swait.ge [sflag:s8], $0x2000  }
0x11d: {  	[sflag:s8] =	ssyncset.done $0x0  }
0x11e: {  	[sflag:s8] =	ssyncadd.s32 $0xFFFFE000  }
0x11f: {  	_ =	swait.ge [sflag:s8], $0x2000  }
0x120: {  	[sflag:s8] =	ssyncset.done $0x0  }
0x121: {  	[sflag:s8] =	ssyncadd.s32 $0xFFFFE000  }
0x122: {  	_ =	swait.ge [sflag:s8], $0x2000  }
0x123: {  	[sflag:s8] =	ssyncset.done $0x0  }
0x124: {  	[sflag:s8] =	ssyncadd.s32 $0xFFFFE000  }
0x125: {  	_ =	swait.ge [sflag:s8], $0x2000  }
0x126: {  	[sflag:s8] =	ssyncset.done $0x0  }
0x127: {  	s1 =	rddreg [dreg:$0x9];
	[sflag:s8] =	ssyncadd.s32 $0xFFFFE000  }
0x128: {  	[hbm4b:s1+s2] =	stream.linear.scatter [tilespmem:s5], [sflag:$0x4], $0x8000, $0x38;
	[tilespmem:$0x11E00] =	vst v63  }
0x129: {  	_ =	swait.ge [sflag:s11], $0x8000  }
0x12a: {  	[sflag:s11] =	ssyncset.done $0x0  }
0x12b: {  	[sflag:s11] =	ssyncadd.s32 $0xFFFF8000  }
0x12c: {  	[tilespmem:s6], [sflag:$0x1] =	stream.indirect.gather [hbm4b:s7+s4], $0x10, s19, s4, $0xb8;
	[tilespmem:$0x11E00] =	vst v63  }
0x12d: {  	_ = 	snop  }
0x12e: {  	[tilespmem:s14], [sflag:$0x1] =	stream.indirect.gather [hbm4b:s7+s4], $0x10, s20, s4, $0xb8;
	[tilespmem:$0x11E00] =	vst v63  }
0x12f: {  	_ = 	snop  }
0x130: {  	[tilespmem:s15], [sflag:$0x1] =	stream.indirect.gather [hbm4b:s7+s4], $0x10, s21, s4, $0xb8;
	[tilespmem:$0x11E00] =	vst v63  }
0x131: {  	_ = 	snop  }
0x132: {  	[tilespmem:s16], [sflag:$0x1] =	stream.indirect.gather [hbm4b:s7+s4], $0x10, s22, s4, $0xb8;
	[tilespmem:$0x11E00] =	vst v63  }
0x133: {  	_ =	swait.ge [sflag:s10], $0x2000  }
0x134: {  	[sflag:s10] =	ssyncset.done $0x0  }
0x135: {  	[sflag:s10] =	ssyncadd.s32 $0xFFFFE000  }
0x136: {  	_ =	swait.ge [sflag:s10], $0x2000  }
0x137: {  	[sflag:s10] =	ssyncset.done $0x0  }
0x138: {  	[sflag:s10] =	ssyncadd.s32 $0xFFFFE000  }
0x139: {  	_ =	swait.ge [sflag:s10], $0x2000  }
0x13a: {  	[sflag:s10] =	ssyncset.done $0x0  }
0x13b: {  	[sflag:s10] =	ssyncadd.s32 $0xFFFFE000  }
0x13c: {  	_ =	swait.ge [sflag:s10], $0x2000  }
0x13d: {  	[sflag:s10] =	ssyncset.done $0x0  }
0x13e: {  	s22 =	rddreg [dreg:$0xa];
	[sflag:s10] =	ssyncadd.s32 $0xFFFFE000  }
0x13f: {  	[hbm4b:s22+s2] =	stream.linear.scatter [tilespmem:s6], [sflag:$0x3], $0x8000, $0x38;
	[tilespmem:$0x11E00] =	vst v63  }
0x140: {  	_ =	swait.ge [sflag:s9], $0x8000  }
0x141: {  	[sflag:s9] =	ssyncset.done $0x0  }
0x142: {  	[sflag:s9] =	ssyncadd.s32 $0xFFFF8000  }
0x143: {  	[tilespmem:s5], [sflag:$0x2] =	stream.indirect.gather [hbm4b:s7+s4], $0x10, s17, s4, $0xb8;
	[tilespmem:$0x11E00] =	vst v63  }
0x144: {  	_ = 	snop  }
0x145: {  	[tilespmem:s13], [sflag:$0x2] =	stream.indirect.gather [hbm4b:s7+s4], $0x10, s18, s4, $0xb8;
	[tilespmem:$0x11E00] =	vst v63  }
0x146: {  	_ =	swait.ge [sflag:s8], $0x2000  }
0x147: {  	[sflag:s8] =	ssyncset.done $0x0  }
0x148: {  	[sflag:s8] =	ssyncadd.s32 $0xFFFFE000  }
0x149: {  	_ =	swait.ge [sflag:s8], $0x2000  }
0x14a: {  	[sflag:s8] =	ssyncset.done $0x0  }
0x14b: {  	s23 =	rddreg [dreg:$0xb];
	[sflag:s8] =	ssyncadd.s32 $0xFFFFE000  }
0x14c: {  	[hbm4b:s23+s2] =	stream.linear.scatter [tilespmem:s5], [sflag:$0x4], $0x4000, $0x38;
	[tilespmem:$0x11E00] =	vst v63  }
0x14d: {  	_ =	swait.ge [sflag:s11], $0x8000  }
0x14e: {  	[sflag:s11] =	ssyncset.done $0x0  }
0x14f: {  	[sflag:s11] =	ssyncadd.s32 $0xFFFF8000  }
0x150: {  	_ =	swait.ge [sflag:s9], $0x4000  }
0x151: {  	[sflag:s9] =	ssyncset.done $0x0  }
0x152: {  	s24 =	rddreg [dreg:$0xc];
	[sflag:s9] =	ssyncadd.s32 $0xFFFFC000  }
0x153: {  	[tilespmem:s12], [sflag:$0x5] =	stream.linear.gather [hbm4b:s24+s2], $0x200, $0x38;
	[tilespmem:$0x11E00] =	vst v63  }
0x154: {  	_ =	swait.ge [sflag:s3], $0x200  }
0x155: {  	[sflag:s3] =	ssyncset.done $0x0  }
0x156: {  	s25 =	rddreg [dreg:$0x5];
	[sflag:s3] =	ssyncadd.s32 $0xFFFFFE00  }
0x157: {  	[tilespmem:s6], [sflag:$0x1] =	stream.indirect.gather [hbm4b:s25+s4], $0x10, s12, s4, $0xb8;
	[tilespmem:$0x11E00] =	vst v63  }
0x158: {  	_ =	swait.ge [sflag:s10], $0x2000  }
0x159: {  	[sflag:s10] =	ssyncset.done $0x0  }
0x15a: {  	s26 =	rddreg [dreg:$0xd];
	[sflag:s10] =	ssyncadd.s32 $0xFFFFE000  }
0x15b: {  	[hbm4b:s26+s2] =	stream.linear.scatter [tilespmem:s6], [sflag:$0x3], $0x2000, $0x38;
	[tilespmem:$0x11E00] =	vst v63  }
0x15c: {  	_ =	swait.ge [sflag:s11], $0x2000  }
0x15d: {  	[sflag:s11] =	ssyncset.done $0x0  }
0x15e: {  	s28 =	rddreg [dreg:$0xe];
	[sflag:s11] =	ssyncadd.s32 $0xFFFFE000  }
0x15f: {  	[tilespmem:s12], [sflag:$0x5] =	stream.linear.gather [hbm4b:s28+s2], $0x200, $0x38;
	[tilespmem:$0x11E00] =	vst v63  }
0x160: {  	_ =	swait.ge [sflag:s3], $0x200  }
0x161: {  	[sflag:s3] =	ssyncset.done $0x0  }
0x162: {  	s29 =	rddreg [dreg:$0x6];
	[sflag:s3] =	ssyncadd.s32 $0xFFFFFE00  }
0x163: {  	[tilespmem:s5], [sflag:$0x2] =	stream.indirect.gather [hbm4b:s29+s4], $0x10, s12, s4, $0xb8;
	[tilespmem:$0x11E00] =	vst v63  }
0x164: {  	_ =	swait.ge [sflag:s8], $0x2000  }
0x165: {  	[sflag:s8] =	ssyncset.done $0x0  }
0x166: {  	s30 =	rddreg [dreg:$0xf];
	[sflag:s8] =	ssyncadd.s32 $0xFFFFE000  }
0x167: {  	[hbm4b:s30+s2] =	stream.linear.scatter [tilespmem:s5], [sflag:$0x4], $0x2000, $0x38;
	[tilespmem:$0x11E00] =	vst v63  }
0x168: {  	_ =	swait.ge [sflag:s9], $0x2000  }
0x169: {  	[sflag:s9] =	ssyncset.done $0x0  }
0x16a: {  	[sflag:s9] =	ssyncadd.s32 $0xFFFFE000  }
0x16b: {  	_ =	sfence.sel $0x180000  }
0x16c: {  	[bflag:$0x0] =	sbarrier.arrive $0xFFFF  }
0x16d: {  	_ =	strace $0x90000047  }
0x16e: {  	s31 =	stileid.u32;
	[bflag:$0x2] =	sbarrier.arrive $0xFFFF  }
0x16f: {  	p0 =	sne.s32 s31, $0x0;
	s0 =	rddreg [dreg:$0x4]  }
0x170: {  	s0 =	sadd.s32 @!p0 $0x100000, s0  }
0x171: {  	[sflag:s0] =	ssyncadd.tile.s32 @!p0 $0x1;
	_ =	shalt  }
.Lfunc_end2:
_tile_overlayer_lowered:
.L_overlay_start_2:
0x172: {  	(tag) =	ssettag $0x2  }
0x173: {  	s0 =	rddreg [dreg:$0x0];
	s2 =	stileid.u32  }
0x174: {  	s1 =	rddreg [dreg:$0x1];
	p0 =	sne.s32 s2, $0x0  }
0x175: {  	s3 =	rddreg [dreg:$0x2];
	[bflag:$0x3] =	sbarrier.arrive $0xFFFF;
	s2 =	simm.s32 @!p0 $0x1C05  }
0x176: {  	[timem:s3], [sflag:s2] =	dma.local @!p0 [hbm:s0], s1  }
0x177: {  	s0 =	simm.s32 @!p0 $0x5  }
0x178: {  	_ =	swait.ge @!p0 [sflag:s0], s1  }
0x179: {  	s1 =	ssub.s32 @!p0 $0x0, s1;
	[sflag:s0] =	ssyncset.done @!p0 $0x0  }
0x17a: {  	[sflag:s0] =	ssyncadd.s32 @!p0 s1  }
0x17b: {  	[bflag:$0x3] =	sbarrier.arrive $0xFFFF  }
0x17c: {  	_ =	shalt  }

</sc_bundles>
